<compile_context>
chip_gen: v7x
topology: tpu7x:2x2x1
jax: 0.10.2.dev20260603
libtpu: 0.0.44.dev20260713+nightly
codegen_flags: <defaults>
</compile_context>

<pallas_src>
import functools

import jax
import jax.numpy as jnp
from jax import lax
from jax.experimental import pallas as pl
from jax.experimental.pallas import tpu as pltpu
from jax.experimental.pallas import tpu_sc as plsc

_NC = 2
_NS = 16
_NW = _NC * _NS

_LOG1P_COEF = (
    0.0005721672283739987,
    0.9812560175991404,
    -0.3941956109139464,
    0.10584377187810023,
)


def _bce16(x, y):
    a = jnp.abs(x)
    u = jnp.exp(-a)
    p = jnp.full((16,), _LOG1P_COEF[3], jnp.float32)
    for c in (_LOG1P_COEF[2], _LOG1P_COEF[1], _LOG1P_COEF[0]):
        p = p * u + c
    return jnp.maximum(x, 0.0) - x * y + p


def _sc_body(blks, chans_per_w, pred_hbm, gt_hbm, mask_hbm, out_hbm,
             pv0, gv0, mv0, pv1, gv1, mv1, rowv, sems):
    w = lax.axis_index("s") * _NC + lax.axis_index("c")
    lane = lax.iota(jnp.int32, 16)
    zf = jnp.zeros((16,), jnp.float32)
    zi = jnp.zeros((16,), jnp.int32)
    nchunks = chans_per_w * 2
    base_r = w * nchunks
    bufs = ((pv0, gv0, mv0), (pv1, gv1, mv1))

    def issue(t, buf):
        r = base_r + t
        pvb, gvb, mvb = bufs[buf]
        pltpu.async_copy(pred_hbm.at[r], pvb, sems.at[buf, 0])
        pltpu.async_copy(gt_hbm.at[r], gvb, sems.at[buf, 1])
        pltpu.async_copy(mask_hbm.at[r], mvb, sems.at[buf, 2])

    def wait(t, buf):
        r = base_r + t
        pvb, gvb, mvb = bufs[buf]
        pltpu.make_async_copy(pred_hbm.at[r], pvb, sems.at[buf, 0]).wait()
        pltpu.make_async_copy(gt_hbm.at[r], gvb, sems.at[buf, 1]).wait()
        pltpu.make_async_copy(mask_hbm.at[r], mvb, sems.at[buf, 2]).wait()

    def chunk_sums(buf, carry):
        pvb, gvb, mvb = bufs[buf]

        def blk_body(b, carry2):
            a0, a1, a2, a3, ac = carry2
            base = b * 64
            w16 = mvb[pl.ds(b * 16, 16)]
            ac = ac + lax.shift_right_logical(
                w16 * jnp.int32(0x01010101), 24)
            accs = []
            for jj, acc in enumerate((a0, a1, a2, a3)):
                x = pvb[pl.ds(base + jj * 16, 16)]
                y = gvb[pl.ds(base + jj * 16, 16)]
                mf = (lax.shift_right_logical(w16, jj * 8) & 1
                      ).astype(jnp.float32)
                accs.append(acc + _bce16(x, y) * mf)
            return (*accs, ac)

        return plsc.parallel_loop(0, blks, carry=carry, unroll=2)(blk_body)

    issue(0, 0)

    def chan_body(cl, loss_vec):
        t0 = cl * 2
        issue(t0 + 1, 1)
        wait(t0, 0)
        carry = chunk_sums(0, (zf, zf, zf, zf, zi))

        @pl.when(cl + 1 < chans_per_w)
        def _():
            issue(t0 + 2, 0)

        wait(t0 + 1, 1)
        a0, a1, a2, a3, ac = chunk_sums(1, carry)
        s = jnp.sum((a0 + a1) + (a2 + a3))
        c = jnp.sum(ac).astype(jnp.float32)
        lossv = jnp.full((16,), s) / jnp.maximum(jnp.full((16,), c), 1.0)
        return jnp.where(lane == cl, lossv, loss_vec)

    loss_vec = lax.fori_loop(0, chans_per_w, chan_body, zf)
    rowv[...] = loss_vec
    pltpu.sync_copy(rowv, out_hbm.at[w])


def kernel(pred, gt, mask):
    B, C, H, W = pred.shape
    nch = B * C
    hw = H * W
    chunk = hw // 2
    blks = chunk // 64
    chans_per_w = nch // _NW
    assert nch % _NW == 0 and hw % 128 == 0

    pred2 = pred.reshape(nch * 2, chunk)
    gt2 = gt.reshape(nch * 2, chunk)
    m4 = mask.reshape(nch * 2, blks, 4, 16).astype(jnp.int32)
    mask2 = (m4[:, :, 0, :] + m4[:, :, 1, :] * 256 +
             m4[:, :, 2, :] * 65536 + m4[:, :, 3, :] * 16777216
             ).reshape(nch * 2, blks * 16)

    mesh = plsc.VectorSubcoreMesh(
        core_axis_name="c", subcore_axis_name="s",
        num_cores=_NC, num_subcores=_NS)

    f = pl.kernel(
        functools.partial(_sc_body, blks, chans_per_w),
        out_type=jax.ShapeDtypeStruct((_NW, 16), jnp.float32),
        mesh=mesh,
        scratch_types=[
            pltpu.VMEM((chunk,), jnp.float32),
            pltpu.VMEM((chunk,), jnp.float32),
            pltpu.VMEM((blks * 16,), jnp.int32),
            pltpu.VMEM((chunk,), jnp.float32),
            pltpu.VMEM((chunk,), jnp.float32),
            pltpu.VMEM((blks * 16,), jnp.int32),
            pltpu.VMEM((16,), jnp.float32),
            pltpu.SemaphoreType.DMA((2, 3)),
        ],
        compiler_params=pltpu.CompilerParams(needs_layout_passes=False),
    )
    out = f(pred2, gt2, mask2)
    return jnp.sum(out) / jnp.float32(nch)

# --- scband reference (transcript-rebuilt; emitter-appended) ---
"""Pipeline reference for scband-masked-bceloss-54700703482053 (READ-ONLY COPY).

The authoritative reference and input builder live on the scoring server;
editing this copy changes nothing except your own understanding.
"""

import jax, jax.numpy as jnp
import numpy as np


def setup_inputs(seed: int = 0) -> dict:
    key = jax.random.key(seed)
    k1, k2, k3 = jax.random.split(key, 3)
    B, C, H, W = 4, 96, 224, 224
    pred = jax.random.normal(k1, (B, C, H, W), dtype=jnp.float32)
    gt = jax.random.uniform(k2, (B, C, H, W), dtype=jnp.float32)
    mask = jax.random.randint(k3, (B, C, H, W), 0, 2).astype(jnp.bool_)
    return {"pred": pred, "gt": gt, "mask": mask}


def reference(pred, gt, mask):
    # Faithful translation of MaskedBCELoss.forward.
    # masked_select -> BCEWithLogitsLoss(reduction='none') -> masked_scatter is
    # order-preserving, so it is exactly elementwise BCE gated by the mask.
    B, C, H, W = pred.shape
    # numerically stable bce_with_logits: max(x,0) - x*y + log(1 + exp(-|x|))
    bce = jnp.maximum(pred, 0.0) - pred * gt + jnp.log1p(jnp.exp(-jnp.abs(pred)))
    loss = jnp.where(mask, bce, jnp.zeros_like(bce))
    loss = loss.reshape(B, C, -1)
    m = mask.reshape(B, C, -1)
    counts = jnp.clip(m.astype(jnp.float32).sum(axis=-1), 1.0, None)
    loss = loss.sum(axis=-1) / counts
    return loss.mean()

if __name__ == "__main__":
    import jax
    _d = setup_inputs()
    print(jax.jit(kernel)(*tuple(_d.values())))

</pallas_src>

<mosaic_0001>
#map = affine_map<(d0, d1) -> (0, 0)>
module attributes {stable_mosaic.version = 14 : i64} {
  func.func @_sc_body(%arg0: i32, %arg1: i32, %arg2: memref<768x25088xf32, #tpu.memory_space<hbm>>, %arg3: memref<768x25088xf32, #tpu.memory_space<hbm>>, %arg4: memref<768x6272xi32, #tpu.memory_space<hbm>>, %arg5: memref<32x16xf32, #tpu.memory_space<hbm>>, %arg6: memref<25088xf32, #tpu.memory_space<vmem>>, %arg7: memref<25088xf32, #tpu.memory_space<vmem>>, %arg8: memref<6272xi32, #tpu.memory_space<vmem>>, %arg9: memref<25088xf32, #tpu.memory_space<vmem>>, %arg10: memref<25088xf32, #tpu.memory_space<vmem>>, %arg11: memref<6272xi32, #tpu.memory_space<vmem>>, %arg12: memref<16xf32, #tpu.memory_space<vmem>>, %arg13: memref<2x3x!tpu.dma_semaphore, #tpu.memory_space<semaphore_mem>>) attributes {dimension_semantics = [#tpu.dimension_semantics<core_parallel>, #tpu.dimension_semantics<subcore_parallel>], iteration_bounds = array<i64: 2, 16>, scalar_prefetch = 0 : i64, scratch_operands = 8 : i64, tpu.core_type = #tpu.core_type<sc_vector_subcore>, window_params = [{transform_indices = #map}, {transform_indices = #map}, {transform_indices = #map}, {transform_indices = #map}]} {
    %mul3A = arith.constant 2 : i32
    %mul3A_0 = arith.muli %arg1, %mul3A : i32
    %add3A = arith.addi %mul3A_0, %arg0 : i32
    %iota3A = tpu.iota {dimensions = array<i32: 0>} : vector<16xi32>
    %broadcast_in_dim3A = arith.constant 0.000000e+00 : f32
    %broadcast_in_dim3A_1 = vector.broadcast %broadcast_in_dim3A : f32 to vector<16xf32>
    %broadcast_in_dim3A_2 = arith.constant 0 : i32
    %broadcast_in_dim3A_3 = vector.broadcast %broadcast_in_dim3A_2 : i32 to vector<16xi32>
    %mul3A_4 = arith.constant 24 : i32
    %mul3A_5 = arith.muli %add3A, %mul3A_4 : i32
    %add3A_6 = arith.constant 0 : i32
    %add3A_7 = arith.addi %mul3A_5, %add3A_6 : i32
    %dma_start3A = arith.constant 0 : i32
    %dma_start3A_8 = arith.constant 0 : i32
    %dma_start3A_9 = arith.constant 0 : i32
    %dma_start3A_10 = tpu.memref_slice %arg2[%add3A_7, %dma_start3A_9] : memref<768x25088xf32, #tpu.memory_space<hbm>> -> memref<1x25088xf32, #tpu.memory_space<hbm>>
    %dma_start3A_11 = tpu.memref_squeeze %dma_start3A_10 : memref<1x25088xf32, #tpu.memory_space<hbm>> -> memref<25088xf32, #tpu.memory_space<hbm>>
    %dma_start3A_12 = tpu.memref_slice %arg13[%dma_start3A, %dma_start3A_8] : memref<2x3x!tpu.dma_semaphore, #tpu.memory_space<semaphore_mem>> -> memref<1x1x!tpu.dma_semaphore, #tpu.memory_space<semaphore_mem>>
    %dma_start3A_13 = tpu.memref_squeeze %dma_start3A_12 : memref<1x1x!tpu.dma_semaphore, #tpu.memory_space<semaphore_mem>> -> memref<!tpu.dma_semaphore, #tpu.memory_space<semaphore_mem>>
    %dma_start3A_14 = arith.constant 0 : i32
    %dma_start3A_15 = tpu.memref_slice %arg2[%add3A_7, %dma_start3A_14] : memref<768x25088xf32, #tpu.memory_space<hbm>> -> memref<1x25088xf32, #tpu.memory_space<hbm>>
    %dma_start3A_16 = tpu.memref_squeeze %dma_start3A_15 : memref<1x25088xf32, #tpu.memory_space<hbm>> -> memref<25088xf32, #tpu.memory_space<hbm>>
    tpu.enqueue_dma source(%dma_start3A_16 : memref<25088xf32, #tpu.memory_space<hbm>>) target(%arg6 : memref<25088xf32, #tpu.memory_space<vmem>>) target_semaphore(%dma_start3A_13 : memref<!tpu.dma_semaphore, #tpu.memory_space<semaphore_mem>>)
    %dma_start3A_17 = arith.constant 0 : i32
    %dma_start3A_18 = arith.constant 1 : i32
    %dma_start3A_19 = arith.constant 0 : i32
    %dma_start3A_20 = tpu.memref_slice %arg3[%add3A_7, %dma_start3A_19] : memref<768x25088xf32, #tpu.memory_space<hbm>> -> memref<1x25088xf32, #tpu.memory_space<hbm>>
    %dma_start3A_21 = tpu.memref_squeeze %dma_start3A_20 : memref<1x25088xf32, #tpu.memory_space<hbm>> -> memref<25088xf32, #tpu.memory_space<hbm>>
    %dma_start3A_22 = tpu.memref_slice %arg13[%dma_start3A_17, %dma_start3A_18] : memref<2x3x!tpu.dma_semaphore, #tpu.memory_space<semaphore_mem>> -> memref<1x1x!tpu.dma_semaphore, #tpu.memory_space<semaphore_mem>>
    %dma_start3A_23 = tpu.memref_squeeze %dma_start3A_22 : memref<1x1x!tpu.dma_semaphore, #tpu.memory_space<semaphore_mem>> -> memref<!tpu.dma_semaphore, #tpu.memory_space<semaphore_mem>>
    %dma_start3A_24 = arith.constant 0 : i32
    %dma_start3A_25 = tpu.memref_slice %arg3[%add3A_7, %dma_start3A_24] : memref<768x25088xf32, #tpu.memory_space<hbm>> -> memref<1x25088xf32, #tpu.memory_space<hbm>>
    %dma_start3A_26 = tpu.memref_squeeze %dma_start3A_25 : memref<1x25088xf32, #tpu.memory_space<hbm>> -> memref<25088xf32, #tpu.memory_space<hbm>>
    tpu.enqueue_dma source(%dma_start3A_26 : memref<25088xf32, #tpu.memory_space<hbm>>) target(%arg7 : memref<25088xf32, #tpu.memory_space<vmem>>) target_semaphore(%dma_start3A_23 : memref<!tpu.dma_semaphore, #tpu.memory_space<semaphore_mem>>)
    %dma_start3A_27 = arith.constant 0 : i32
    %dma_start3A_28 = arith.constant 2 : i32
    %dma_start3A_29 = arith.constant 0 : i32
    %dma_start3A_30 = tpu.memref_slice %arg4[%add3A_7, %dma_start3A_29] : memref<768x6272xi32, #tpu.memory_space<hbm>> -> memref<1x6272xi32, #tpu.memory_space<hbm>>
    %dma_start3A_31 = tpu.memref_squeeze %dma_start3A_30 : memref<1x6272xi32, #tpu.memory_space<hbm>> -> memref<6272xi32, #tpu.memory_space<hbm>>
    %dma_start3A_32 = tpu.memref_slice %arg13[%dma_start3A_27, %dma_start3A_28] : memref<2x3x!tpu.dma_semaphore, #tpu.memory_space<semaphore_mem>> -> memref<1x1x!tpu.dma_semaphore, #tpu.memory_space<semaphore_mem>>
    %dma_start3A_33 = tpu.memref_squeeze %dma_start3A_32 : memref<1x1x!tpu.dma_semaphore, #tpu.memory_space<semaphore_mem>> -> memref<!tpu.dma_semaphore, #tpu.memory_space<semaphore_mem>>
    %dma_start3A_34 = arith.constant 0 : i32
    %dma_start3A_35 = tpu.memref_slice %arg4[%add3A_7, %dma_start3A_34] : memref<768x6272xi32, #tpu.memory_space<hbm>> -> memref<1x6272xi32, #tpu.memory_space<hbm>>
    %dma_start3A_36 = tpu.memref_squeeze %dma_start3A_35 : memref<1x6272xi32, #tpu.memory_space<hbm>> -> memref<6272xi32, #tpu.memory_space<hbm>>
    tpu.enqueue_dma source(%dma_start3A_36 : memref<6272xi32, #tpu.memory_space<hbm>>) target(%arg8 : memref<6272xi32, #tpu.memory_space<vmem>>) target_semaphore(%dma_start3A_33 : memref<!tpu.dma_semaphore, #tpu.memory_space<semaphore_mem>>)
    %scan3A = arith.constant 0 : i32
    %scan3A_37 = arith.constant 12 : i32
    %scan3A_38 = arith.addi %scan3A, %scan3A_37 : i32
    %scan3A_39 = arith.constant 1 : i32
    %scan3A_40 = scf.for %scan3A_43 = %scan3A to %scan3A_38 step %scan3A_39 iter_args(%scan3A_44 = %broadcast_in_dim3A_1) -> (vector<16xf32>)  : i32 {
      %mul3A_45 = arith.constant 2 : i32
      %mul3A_46 = arith.muli %scan3A_43, %mul3A_45 : i32
      %add3A_47 = arith.constant 1 : i32
      %add3A_48 = arith.addi %mul3A_46, %add3A_47 : i32
      %add3A_49 = arith.addi %mul3A_5, %add3A_48 : i32
      %dma_start3A_50 = arith.constant 1 : i32
      %dma_start3A_51 = arith.constant 0 : i32
      %dma_start3A_52 = arith.constant 0 : i32
      %dma_start3A_53 = tpu.memref_slice %arg2[%add3A_49, %dma_start3A_52] : memref<768x25088xf32, #tpu.memory_space<hbm>> -> memref<1x25088xf32, #tpu.memory_space<hbm>>
      %dma_start3A_54 = tpu.memref_squeeze %dma_start3A_53 : memref<1x25088xf32, #tpu.memory_space<hbm>> -> memref<25088xf32, #tpu.memory_space<hbm>>
      %dma_start3A_55 = tpu.memref_slice %arg13[%dma_start3A_50, %dma_start3A_51] : memref<2x3x!tpu.dma_semaphore, #tpu.memory_space<semaphore_mem>> -> memref<1x1x!tpu.dma_semaphore, #tpu.memory_space<semaphore_mem>>
      %dma_start3A_56 = tpu.memref_squeeze %dma_start3A_55 : memref<1x1x!tpu.dma_semaphore, #tpu.memory_space<semaphore_mem>> -> memref<!tpu.dma_semaphore, #tpu.memory_space<semaphore_mem>>
      %dma_start3A_57 = arith.constant 0 : i32
      %dma_start3A_58 = tpu.memref_slice %arg2[%add3A_49, %dma_start3A_57] : memref<768x25088xf32, #tpu.memory_space<hbm>> -> memref<1x25088xf32, #tpu.memory_space<hbm>>
      %dma_start3A_59 = tpu.memref_squeeze %dma_start3A_58 : memref<1x25088xf32, #tpu.memory_space<hbm>> -> memref<25088xf32, #tpu.memory_space<hbm>>
      tpu.enqueue_dma source(%dma_start3A_59 : memref<25088xf32, #tpu.memory_space<hbm>>) target(%arg9 : memref<25088xf32, #tpu.memory_space<vmem>>) target_semaphore(%dma_start3A_56 : memref<!tpu.dma_semaphore, #tpu.memory_space<semaphore_mem>>)
      %dma_start3A_60 = arith.constant 1 : i32
      %dma_start3A_61 = arith.constant 1 : i32
      %dma_start3A_62 = arith.constant 0 : i32
      %dma_start3A_63 = tpu.memref_slice %arg3[%add3A_49, %dma_start3A_62] : memref<768x25088xf32, #tpu.memory_space<hbm>> -> memref<1x25088xf32, #tpu.memory_space<hbm>>
      %dma_start3A_64 = tpu.memref_squeeze %dma_start3A_63 : memref<1x25088xf32, #tpu.memory_space<hbm>> -> memref<25088xf32, #tpu.memory_space<hbm>>
      %dma_start3A_65 = tpu.memref_slice %arg13[%dma_start3A_60, %dma_start3A_61] : memref<2x3x!tpu.dma_semaphore, #tpu.memory_space<semaphore_mem>> -> memref<1x1x!tpu.dma_semaphore, #tpu.memory_space<semaphore_mem>>
      %dma_start3A_66 = tpu.memref_squeeze %dma_start3A_65 : memref<1x1x!tpu.dma_semaphore, #tpu.memory_space<semaphore_mem>> -> memref<!tpu.dma_semaphore, #tpu.memory_space<semaphore_mem>>
      %dma_start3A_67 = arith.constant 0 : i32
      %dma_start3A_68 = tpu.memref_slice %arg3[%add3A_49, %dma_start3A_67] : memref<768x25088xf32, #tpu.memory_space<hbm>> -> memref<1x25088xf32, #tpu.memory_space<hbm>>
      %dma_start3A_69 = tpu.memref_squeeze %dma_start3A_68 : memref<1x25088xf32, #tpu.memory_space<hbm>> -> memref<25088xf32, #tpu.memory_space<hbm>>
      tpu.enqueue_dma source(%dma_start3A_69 : memref<25088xf32, #tpu.memory_space<hbm>>) target(%arg10 : memref<25088xf32, #tpu.memory_space<vmem>>) target_semaphore(%dma_start3A_66 : memref<!tpu.dma_semaphore, #tpu.memory_space<semaphore_mem>>)
      %dma_start3A_70 = arith.constant 1 : i32
      %dma_start3A_71 = arith.constant 2 : i32
      %dma_start3A_72 = arith.constant 0 : i32
      %dma_start3A_73 = tpu.memref_slice %arg4[%add3A_49, %dma_start3A_72] : memref<768x6272xi32, #tpu.memory_space<hbm>> -> memref<1x6272xi32, #tpu.memory_space<hbm>>
      %dma_start3A_74 = tpu.memref_squeeze %dma_start3A_73 : memref<1x6272xi32, #tpu.memory_space<hbm>> -> memref<6272xi32, #tpu.memory_space<hbm>>
      %dma_start3A_75 = tpu.memref_slice %arg13[%dma_start3A_70, %dma_start3A_71] : memref<2x3x!tpu.dma_semaphore, #tpu.memory_space<semaphore_mem>> -> memref<1x1x!tpu.dma_semaphore, #tpu.memory_space<semaphore_mem>>
      %dma_start3A_76 = tpu.memref_squeeze %dma_start3A_75 : memref<1x1x!tpu.dma_semaphore, #tpu.memory_space<semaphore_mem>> -> memref<!tpu.dma_semaphore, #tpu.memory_space<semaphore_mem>>
      %dma_start3A_77 = arith.constant 0 : i32
      %dma_start3A_78 = tpu.memref_slice %arg4[%add3A_49, %dma_start3A_77] : memref<768x6272xi32, #tpu.memory_space<hbm>> -> memref<1x6272xi32, #tpu.memory_space<hbm>>
      %dma_start3A_79 = tpu.memref_squeeze %dma_start3A_78 : memref<1x6272xi32, #tpu.memory_space<hbm>> -> memref<6272xi32, #tpu.memory_space<hbm>>
      tpu.enqueue_dma source(%dma_start3A_79 : memref<6272xi32, #tpu.memory_space<hbm>>) target(%arg11 : memref<6272xi32, #tpu.memory_space<vmem>>) target_semaphore(%dma_start3A_76 : memref<!tpu.dma_semaphore, #tpu.memory_space<semaphore_mem>>)
      %add3A_80 = arith.addi %mul3A_5, %mul3A_46 : i32
      %dma_wait3A = arith.constant 0 : i32
      %dma_wait3A_81 = arith.constant 0 : i32
      %dma_wait3A_82 = arith.constant 0 : i32
      %dma_wait3A_83 = tpu.memref_slice %arg2[%add3A_80, %dma_wait3A_82] : memref<768x25088xf32, #tpu.memory_space<hbm>> -> memref<1x25088xf32, #tpu.memory_space<hbm>>
      %dma_wait3A_84 = tpu.memref_squeeze %dma_wait3A_83 : memref<1x25088xf32, #tpu.memory_space<hbm>> -> memref<25088xf32, #tpu.memory_space<hbm>>
      %dma_wait3A_85 = tpu.memref_slice %arg13[%dma_wait3A, %dma_wait3A_81] : memref<2x3x!tpu.dma_semaphore, #tpu.memory_space<semaphore_mem>> -> memref<1x1x!tpu.dma_semaphore, #tpu.memory_space<semaphore_mem>>
      %dma_wait3A_86 = tpu.memref_squeeze %dma_wait3A_85 : memref<1x1x!tpu.dma_semaphore, #tpu.memory_space<semaphore_mem>> -> memref<!tpu.dma_semaphore, #tpu.memory_space<semaphore_mem>>
      %dma_wait3A_87 = arith.constant 0 : i32
      %dma_wait3A_88 = tpu.memref_slice %arg2[%add3A_80, %dma_wait3A_87] : memref<768x25088xf32, #tpu.memory_space<hbm>> -> memref<1x25088xf32, #tpu.memory_space<hbm>>
      %dma_wait3A_89 = tpu.memref_squeeze %dma_wait3A_88 : memref<1x25088xf32, #tpu.memory_space<hbm>> -> memref<25088xf32, #tpu.memory_space<hbm>>
      tpu.wait_dma2 semaphore(%dma_wait3A_86 : memref<!tpu.dma_semaphore, #tpu.memory_space<semaphore_mem>>) src(%dma_wait3A_89 : memref<25088xf32, #tpu.memory_space<hbm>>) dst(%arg6 : memref<25088xf32, #tpu.memory_space<vmem>>)
      %dma_wait3A_90 = arith.constant 0 : i32
      %dma_wait3A_91 = arith.constant 1 : i32
      %dma_wait3A_92 = arith.constant 0 : i32
      %dma_wait3A_93 = tpu.memref_slice %arg3[%add3A_80, %dma_wait3A_92] : memref<768x25088xf32, #tpu.memory_space<hbm>> -> memref<1x25088xf32, #tpu.memory_space<hbm>>
      %dma_wait3A_94 = tpu.memref_squeeze %dma_wait3A_93 : memref<1x25088xf32, #tpu.memory_space<hbm>> -> memref<25088xf32, #tpu.memory_space<hbm>>
      %dma_wait3A_95 = tpu.memref_slice %arg13[%dma_wait3A_90, %dma_wait3A_91] : memref<2x3x!tpu.dma_semaphore, #tpu.memory_space<semaphore_mem>> -> memref<1x1x!tpu.dma_semaphore, #tpu.memory_space<semaphore_mem>>
      %dma_wait3A_96 = tpu.memref_squeeze %dma_wait3A_95 : memref<1x1x!tpu.dma_semaphore, #tpu.memory_space<semaphore_mem>> -> memref<!tpu.dma_semaphore, #tpu.memory_space<semaphore_mem>>
      %dma_wait3A_97 = arith.constant 0 : i32
      %dma_wait3A_98 = tpu.memref_slice %arg3[%add3A_80, %dma_wait3A_97] : memref<768x25088xf32, #tpu.memory_space<hbm>> -> memref<1x25088xf32, #tpu.memory_space<hbm>>
      %dma_wait3A_99 = tpu.memref_squeeze %dma_wait3A_98 : memref<1x25088xf32, #tpu.memory_space<hbm>> -> memref<25088xf32, #tpu.memory_space<hbm>>
      tpu.wait_dma2 semaphore(%dma_wait3A_96 : memref<!tpu.dma_semaphore, #tpu.memory_space<semaphore_mem>>) src(%dma_wait3A_99 : memref<25088xf32, #tpu.memory_space<hbm>>) dst(%arg7 : memref<25088xf32, #tpu.memory_space<vmem>>)
      %dma_wait3A_100 = arith.constant 0 : i32
      %dma_wait3A_101 = arith.constant 2 : i32
      %dma_wait3A_102 = arith.constant 0 : i32
      %dma_wait3A_103 = tpu.memref_slice %arg4[%add3A_80, %dma_wait3A_102] : memref<768x6272xi32, #tpu.memory_space<hbm>> -> memref<1x6272xi32, #tpu.memory_space<hbm>>
      %dma_wait3A_104 = tpu.memref_squeeze %dma_wait3A_103 : memref<1x6272xi32, #tpu.memory_space<hbm>> -> memref<6272xi32, #tpu.memory_space<hbm>>
      %dma_wait3A_105 = tpu.memref_slice %arg13[%dma_wait3A_100, %dma_wait3A_101] : memref<2x3x!tpu.dma_semaphore, #tpu.memory_space<semaphore_mem>> -> memref<1x1x!tpu.dma_semaphore, #tpu.memory_space<semaphore_mem>>
      %dma_wait3A_106 = tpu.memref_squeeze %dma_wait3A_105 : memref<1x1x!tpu.dma_semaphore, #tpu.memory_space<semaphore_mem>> -> memref<!tpu.dma_semaphore, #tpu.memory_space<semaphore_mem>>
      %dma_wait3A_107 = arith.constant 0 : i32
      %dma_wait3A_108 = tpu.memref_slice %arg4[%add3A_80, %dma_wait3A_107] : memref<768x6272xi32, #tpu.memory_space<hbm>> -> memref<1x6272xi32, #tpu.memory_space<hbm>>
      %dma_wait3A_109 = tpu.memref_squeeze %dma_wait3A_108 : memref<1x6272xi32, #tpu.memory_space<hbm>> -> memref<6272xi32, #tpu.memory_space<hbm>>
      tpu.wait_dma2 semaphore(%dma_wait3A_106 : memref<!tpu.dma_semaphore, #tpu.memory_space<semaphore_mem>>) src(%dma_wait3A_109 : memref<6272xi32, #tpu.memory_space<hbm>>) dst(%arg8 : memref<6272xi32, #tpu.memory_space<vmem>>)
      %parallel_loop3A = arith.constant 0 : i32
      %parallel_loop3A_110 = arith.constant 392 : i32
      %parallel_loop3A_111 = arith.constant 1 : i32
      %parallel_loop3A_112:5 = scf.for %parallel_loop3A_170 = %parallel_loop3A to %parallel_loop3A_110 step %parallel_loop3A_111 iter_args(%parallel_loop3A_171 = %broadcast_in_dim3A_1, %parallel_loop3A_172 = %broadcast_in_dim3A_1, %parallel_loop3A_173 = %broadcast_in_dim3A_1, %parallel_loop3A_174 = %broadcast_in_dim3A_1, %parallel_loop3A_175 = %broadcast_in_dim3A_3) -> (vector<16xf32>, vector<16xf32>, vector<16xf32>, vector<16xf32>, vector<16xi32>)  : i32 {
        %parallel_loop3A_176 = arith.constant 64 : i32
        %parallel_loop3A_177 = arith.muli %parallel_loop3A_170, %parallel_loop3A_176 : i32
        %parallel_loop3A_178 = arith.constant 16 : i32
        %parallel_loop3A_179 = arith.muli %parallel_loop3A_170, %parallel_loop3A_178 : i32
        %parallel_loop3A_180 = arith.index_cast %parallel_loop3A_179 : i32 to index
        %parallel_loop3A_181 = tpu.vector_load %arg8[%parallel_loop3A_180] {strides = array<i32>} : memref<6272xi32, #tpu.memory_space<vmem>>, vector<16xi32>,
        %parallel_loop3A_182 = arith.constant 16843009 : i32
        %parallel_loop3A_183 = vector.broadcast %parallel_loop3A_182 : i32 to vector<16xi32>
        %parallel_loop3A_184 = arith.muli %parallel_loop3A_181, %parallel_loop3A_183 : vector<16xi32>
        %parallel_loop3A_185 = arith.constant 24 : i32
        %parallel_loop3A_186 = vector.broadcast %parallel_loop3A_185 : i32 to vector<16xi32>
        %parallel_loop3A_187 = arith.shrui %parallel_loop3A_184, %parallel_loop3A_186 : vector<16xi32>
        %parallel_loop3A_188 = arith.addi %parallel_loop3A_175, %parallel_loop3A_187 : vector<16xi32>
        %parallel_loop3A_189 = arith.constant 0 : i32
        %parallel_loop3A_190 = arith.addi %parallel_loop3A_177, %parallel_loop3A_189 : i32
        %parallel_loop3A_191 = arith.index_cast %parallel_loop3A_190 : i32 to index
        %parallel_loop3A_192 = tpu.vector_load %arg6[%parallel_loop3A_191] {strides = array<i32>} : memref<25088xf32, #tpu.memory_space<vmem>>, vector<16xf32>,
        %parallel_loop3A_193 = arith.constant 0 : i32
        %parallel_loop3A_194 = arith.addi %parallel_loop3A_177, %parallel_loop3A_193 : i32
        %parallel_loop3A_195 = arith.index_cast %parallel_loop3A_194 : i32 to index
        %parallel_loop3A_196 = tpu.vector_load %arg7[%parallel_loop3A_195] {strides = array<i32>} : memref<25088xf32, #tpu.memory_space<vmem>>, vector<16xf32>,
        %parallel_loop3A_197 = arith.constant 0 : i32
        %parallel_loop3A_198 = vector.broadcast %parallel_loop3A_197 : i32 to vector<16xi32>
        %parallel_loop3A_199 = arith.shrui %parallel_loop3A_181, %parallel_loop3A_198 : vector<16xi32>
        %parallel_loop3A_200 = arith.constant 1 : i32
        %parallel_loop3A_201 = vector.broadcast %parallel_loop3A_200 : i32 to vector<16xi32>
        %parallel_loop3A_202 = arith.andi %parallel_loop3A_199, %parallel_loop3A_201 : vector<16xi32>
        %parallel_loop3A_203 = arith.sitofp %parallel_loop3A_202 : vector<16xi32> to vector<16xf32>
        %parallel_loop3A_204 = math.absf %parallel_loop3A_192 : vector<16xf32>
        %parallel_loop3A_205 = arith.constant 0.000000e+00 : f32
        %parallel_loop3A_206 = vector.broadcast %parallel_loop3A_205 : f32 to vector<16xf32>
        %parallel_loop3A_207 = arith.subf %parallel_loop3A_206, %parallel_loop3A_204 : vector<16xf32>
        %parallel_loop3A_208 = math.exp %parallel_loop3A_207 : vector<16xf32>
        %parallel_loop3A_209 = arith.constant 0.105843775 : f32
        %parallel_loop3A_210 = vector.broadcast %parallel_loop3A_209 : f32 to vector<16xf32>
        %parallel_loop3A_211 = arith.mulf %parallel_loop3A_210, %parallel_loop3A_208 : vector<16xf32>
        %parallel_loop3A_212 = arith.constant -0.394195616 : f32
        %parallel_loop3A_213 = vector.broadcast %parallel_loop3A_212 : f32 to vector<16xf32>
        %parallel_loop3A_214 = arith.addf %parallel_loop3A_211, %parallel_loop3A_213 : vector<16xf32>
        %parallel_loop3A_215 = arith.mulf %parallel_loop3A_214, %parallel_loop3A_208 : vector<16xf32>
        %parallel_loop3A_216 = arith.constant 9.812560e-01 : f32
        %parallel_loop3A_217 = vector.broadcast %parallel_loop3A_216 : f32 to vector<16xf32>
        %parallel_loop3A_218 = arith.addf %parallel_loop3A_215, %parallel_loop3A_217 : vector<16xf32>
        %parallel_loop3A_219 = arith.mulf %parallel_loop3A_218, %parallel_loop3A_208 : vector<16xf32>
        %parallel_loop3A_220 = arith.constant 5.72167221E-4 : f32
        %parallel_loop3A_221 = vector.broadcast %parallel_loop3A_220 : f32 to vector<16xf32>
        %parallel_loop3A_222 = arith.addf %parallel_loop3A_219, %parallel_loop3A_221 : vector<16xf32>
        %parallel_loop3A_223 = arith.constant 0.000000e+00 : f32
        %parallel_loop3A_224 = vector.broadcast %parallel_loop3A_223 : f32 to vector<16xf32>
        %parallel_loop3A_225 = arith.maximumf %parallel_loop3A_192, %parallel_loop3A_224 : vector<16xf32>
        %parallel_loop3A_226 = arith.mulf %parallel_loop3A_192, %parallel_loop3A_196 : vector<16xf32>
        %parallel_loop3A_227 = arith.subf %parallel_loop3A_225, %parallel_loop3A_226 : vector<16xf32>
        %parallel_loop3A_228 = arith.addf %parallel_loop3A_227, %parallel_loop3A_222 : vector<16xf32>
        %parallel_loop3A_229 = arith.mulf %parallel_loop3A_228, %parallel_loop3A_203 : vector<16xf32>
        %parallel_loop3A_230 = arith.addf %parallel_loop3A_171, %parallel_loop3A_229 : vector<16xf32>
        %parallel_loop3A_231 = arith.constant 16 : i32
        %parallel_loop3A_232 = arith.addi %parallel_loop3A_177, %parallel_loop3A_231 : i32
        %parallel_loop3A_233 = arith.index_cast %parallel_loop3A_232 : i32 to index
        %parallel_loop3A_234 = tpu.vector_load %arg6[%parallel_loop3A_233] {strides = array<i32>} : memref<25088xf32, #tpu.memory_space<vmem>>, vector<16xf32>,
        %parallel_loop3A_235 = arith.constant 16 : i32
        %parallel_loop3A_236 = arith.addi %parallel_loop3A_177, %parallel_loop3A_235 : i32
        %parallel_loop3A_237 = arith.index_cast %parallel_loop3A_236 : i32 to index
        %parallel_loop3A_238 = tpu.vector_load %arg7[%parallel_loop3A_237] {strides = array<i32>} : memref<25088xf32, #tpu.memory_space<vmem>>, vector<16xf32>,
        %parallel_loop3A_239 = arith.constant 8 : i32
        %parallel_loop3A_240 = vector.broadcast %parallel_loop3A_239 : i32 to vector<16xi32>
        %parallel_loop3A_241 = arith.shrui %parallel_loop3A_181, %parallel_loop3A_240 : vector<16xi32>
        %parallel_loop3A_242 = arith.constant 1 : i32
        %parallel_loop3A_243 = vector.broadcast %parallel_loop3A_242 : i32 to vector<16xi32>
        %parallel_loop3A_244 = arith.andi %parallel_loop3A_241, %parallel_loop3A_243 : vector<16xi32>
        %parallel_loop3A_245 = arith.sitofp %parallel_loop3A_244 : vector<16xi32> to vector<16xf32>
        %parallel_loop3A_246 = math.absf %parallel_loop3A_234 : vector<16xf32>
        %parallel_loop3A_247 = arith.constant 0.000000e+00 : f32
        %parallel_loop3A_248 = vector.broadcast %parallel_loop3A_247 : f32 to vector<16xf32>
        %parallel_loop3A_249 = arith.subf %parallel_loop3A_248, %parallel_loop3A_246 : vector<16xf32>
        %parallel_loop3A_250 = math.exp %parallel_loop3A_249 : vector<16xf32>
        %parallel_loop3A_251 = arith.constant 0.105843775 : f32
        %parallel_loop3A_252 = vector.broadcast %parallel_loop3A_251 : f32 to vector<16xf32>
        %parallel_loop3A_253 = arith.mulf %parallel_loop3A_252, %parallel_loop3A_250 : vector<16xf32>
        %parallel_loop3A_254 = arith.constant -0.394195616 : f32
        %parallel_loop3A_255 = vector.broadcast %parallel_loop3A_254 : f32 to vector<16xf32>
        %parallel_loop3A_256 = arith.addf %parallel_loop3A_253, %parallel_loop3A_255 : vector<16xf32>
        %parallel_loop3A_257 = arith.mulf %parallel_loop3A_256, %parallel_loop3A_250 : vector<16xf32>
        %parallel_loop3A_258 = arith.constant 9.812560e-01 : f32
        %parallel_loop3A_259 = vector.broadcast %parallel_loop3A_258 : f32 to vector<16xf32>
        %parallel_loop3A_260 = arith.addf %parallel_loop3A_257, %parallel_loop3A_259 : vector<16xf32>
        %parallel_loop3A_261 = arith.mulf %parallel_loop3A_260, %parallel_loop3A_250 : vector<16xf32>
        %parallel_loop3A_262 = arith.constant 5.72167221E-4 : f32
        %parallel_loop3A_263 = vector.broadcast %parallel_loop3A_262 : f32 to vector<16xf32>
        %parallel_loop3A_264 = arith.addf %parallel_loop3A_261, %parallel_loop3A_263 : vector<16xf32>
        %parallel_loop3A_265 = arith.constant 0.000000e+00 : f32
        %parallel_loop3A_266 = vector.broadcast %parallel_loop3A_265 : f32 to vector<16xf32>
        %parallel_loop3A_267 = arith.maximumf %parallel_loop3A_234, %parallel_loop3A_266 : vector<16xf32>
        %parallel_loop3A_268 = arith.mulf %parallel_loop3A_234, %parallel_loop3A_238 : vector<16xf32>
        %parallel_loop3A_269 = arith.subf %parallel_loop3A_267, %parallel_loop3A_268 : vector<16xf32>
        %parallel_loop3A_270 = arith.addf %parallel_loop3A_269, %parallel_loop3A_264 : vector<16xf32>
        %parallel_loop3A_271 = arith.mulf %parallel_loop3A_270, %parallel_loop3A_245 : vector<16xf32>
        %parallel_loop3A_272 = arith.addf %parallel_loop3A_172, %parallel_loop3A_271 : vector<16xf32>
        %parallel_loop3A_273 = arith.constant 32 : i32
        %parallel_loop3A_274 = arith.addi %parallel_loop3A_177, %parallel_loop3A_273 : i32
        %parallel_loop3A_275 = arith.index_cast %parallel_loop3A_274 : i32 to index
        %parallel_loop3A_276 = tpu.vector_load %arg6[%parallel_loop3A_275] {strides = array<i32>} : memref<25088xf32, #tpu.memory_space<vmem>>, vector<16xf32>,
        %parallel_loop3A_277 = arith.constant 32 : i32
        %parallel_loop3A_278 = arith.addi %parallel_loop3A_177, %parallel_loop3A_277 : i32
        %parallel_loop3A_279 = arith.index_cast %parallel_loop3A_278 : i32 to index
        %parallel_loop3A_280 = tpu.vector_load %arg7[%parallel_loop3A_279] {strides = array<i32>} : memref<25088xf32, #tpu.memory_space<vmem>>, vector<16xf32>,
        %parallel_loop3A_281 = arith.constant 16 : i32
        %parallel_loop3A_282 = vector.broadcast %parallel_loop3A_281 : i32 to vector<16xi32>
        %parallel_loop3A_283 = arith.shrui %parallel_loop3A_181, %parallel_loop3A_282 : vector<16xi32>
        %parallel_loop3A_284 = arith.constant 1 : i32
        %parallel_loop3A_285 = vector.broadcast %parallel_loop3A_284 : i32 to vector<16xi32>
        %parallel_loop3A_286 = arith.andi %parallel_loop3A_283, %parallel_loop3A_285 : vector<16xi32>
        %parallel_loop3A_287 = arith.sitofp %parallel_loop3A_286 : vector<16xi32> to vector<16xf32>
        %parallel_loop3A_288 = math.absf %parallel_loop3A_276 : vector<16xf32>
        %parallel_loop3A_289 = arith.constant 0.000000e+00 : f32
        %parallel_loop3A_290 = vector.broadcast %parallel_loop3A_289 : f32 to vector<16xf32>
        %parallel_loop3A_291 = arith.subf %parallel_loop3A_290, %parallel_loop3A_288 : vector<16xf32>
        %parallel_loop3A_292 = math.exp %parallel_loop3A_291 : vector<16xf32>
        %parallel_loop3A_293 = arith.constant 0.105843775 : f32
        %parallel_loop3A_294 = vector.broadcast %parallel_loop3A_293 : f32 to vector<16xf32>
        %parallel_loop3A_295 = arith.mulf %parallel_loop3A_294, %parallel_loop3A_292 : vector<16xf32>
        %parallel_loop3A_296 = arith.constant -0.394195616 : f32
        %parallel_loop3A_297 = vector.broadcast %parallel_loop3A_296 : f32 to vector<16xf32>
        %parallel_loop3A_298 = arith.addf %parallel_loop3A_295, %parallel_loop3A_297 : vector<16xf32>
        %parallel_loop3A_299 = arith.mulf %parallel_loop3A_298, %parallel_loop3A_292 : vector<16xf32>
        %parallel_loop3A_300 = arith.constant 9.812560e-01 : f32
        %parallel_loop3A_301 = vector.broadcast %parallel_loop3A_300 : f32 to vector<16xf32>
        %parallel_loop3A_302 = arith.addf %parallel_loop3A_299, %parallel_loop3A_301 : vector<16xf32>
        %parallel_loop3A_303 = arith.mulf %parallel_loop3A_302, %parallel_loop3A_292 : vector<16xf32>
        %parallel_loop3A_304 = arith.constant 5.72167221E-4 : f32
        %parallel_loop3A_305 = vector.broadcast %parallel_loop3A_304 : f32 to vector<16xf32>
        %parallel_loop3A_306 = arith.addf %parallel_loop3A_303, %parallel_loop3A_305 : vector<16xf32>
        %parallel_loop3A_307 = arith.constant 0.000000e+00 : f32
        %parallel_loop3A_308 = vector.broadcast %parallel_loop3A_307 : f32 to vector<16xf32>
        %parallel_loop3A_309 = arith.maximumf %parallel_loop3A_276, %parallel_loop3A_308 : vector<16xf32>
        %parallel_loop3A_310 = arith.mulf %parallel_loop3A_276, %parallel_loop3A_280 : vector<16xf32>
        %parallel_loop3A_311 = arith.subf %parallel_loop3A_309, %parallel_loop3A_310 : vector<16xf32>
        %parallel_loop3A_312 = arith.addf %parallel_loop3A_311, %parallel_loop3A_306 : vector<16xf32>
        %parallel_loop3A_313 = arith.mulf %parallel_loop3A_312, %parallel_loop3A_287 : vector<16xf32>
        %parallel_loop3A_314 = arith.addf %parallel_loop3A_173, %parallel_loop3A_313 : vector<16xf32>
        %parallel_loop3A_315 = arith.constant 48 : i32
        %parallel_loop3A_316 = arith.addi %parallel_loop3A_177, %parallel_loop3A_315 : i32
        %parallel_loop3A_317 = arith.index_cast %parallel_loop3A_316 : i32 to index
        %parallel_loop3A_318 = tpu.vector_load %arg6[%parallel_loop3A_317] {strides = array<i32>} : memref<25088xf32, #tpu.memory_space<vmem>>, vector<16xf32>,
        %parallel_loop3A_319 = arith.constant 48 : i32
        %parallel_loop3A_320 = arith.addi %parallel_loop3A_177, %parallel_loop3A_319 : i32
        %parallel_loop3A_321 = arith.index_cast %parallel_loop3A_320 : i32 to index
        %parallel_loop3A_322 = tpu.vector_load %arg7[%parallel_loop3A_321] {strides = array<i32>} : memref<25088xf32, #tpu.memory_space<vmem>>, vector<16xf32>,
        %parallel_loop3A_323 = arith.constant 24 : i32
        %parallel_loop3A_324 = vector.broadcast %parallel_loop3A_323 : i32 to vector<16xi32>
        %parallel_loop3A_325 = arith.shrui %parallel_loop3A_181, %parallel_loop3A_324 : vector<16xi32>
        %parallel_loop3A_326 = arith.constant 1 : i32
        %parallel_loop3A_327 = vector.broadcast %parallel_loop3A_326 : i32 to vector<16xi32>
        %parallel_loop3A_328 = arith.andi %parallel_loop3A_325, %parallel_loop3A_327 : vector<16xi32>
        %parallel_loop3A_329 = arith.sitofp %parallel_loop3A_328 : vector<16xi32> to vector<16xf32>
        %parallel_loop3A_330 = math.absf %parallel_loop3A_318 : vector<16xf32>
        %parallel_loop3A_331 = arith.constant 0.000000e+00 : f32
        %parallel_loop3A_332 = vector.broadcast %parallel_loop3A_331 : f32 to vector<16xf32>
        %parallel_loop3A_333 = arith.subf %parallel_loop3A_332, %parallel_loop3A_330 : vector<16xf32>
        %parallel_loop3A_334 = math.exp %parallel_loop3A_333 : vector<16xf32>
        %parallel_loop3A_335 = arith.constant 0.105843775 : f32
        %parallel_loop3A_336 = vector.broadcast %parallel_loop3A_335 : f32 to vector<16xf32>
        %parallel_loop3A_337 = arith.mulf %parallel_loop3A_336, %parallel_loop3A_334 : vector<16xf32>
        %parallel_loop3A_338 = arith.constant -0.394195616 : f32
        %parallel_loop3A_339 = vector.broadcast %parallel_loop3A_338 : f32 to vector<16xf32>
        %parallel_loop3A_340 = arith.addf %parallel_loop3A_337, %parallel_loop3A_339 : vector<16xf32>
        %parallel_loop3A_341 = arith.mulf %parallel_loop3A_340, %parallel_loop3A_334 : vector<16xf32>
        %parallel_loop3A_342 = arith.constant 9.812560e-01 : f32
        %parallel_loop3A_343 = vector.broadcast %parallel_loop3A_342 : f32 to vector<16xf32>
        %parallel_loop3A_344 = arith.addf %parallel_loop3A_341, %parallel_loop3A_343 : vector<16xf32>
        %parallel_loop3A_345 = arith.mulf %parallel_loop3A_344, %parallel_loop3A_334 : vector<16xf32>
        %parallel_loop3A_346 = arith.constant 5.72167221E-4 : f32
        %parallel_loop3A_347 = vector.broadcast %parallel_loop3A_346 : f32 to vector<16xf32>
        %parallel_loop3A_348 = arith.addf %parallel_loop3A_345, %parallel_loop3A_347 : vector<16xf32>
        %parallel_loop3A_349 = arith.constant 0.000000e+00 : f32
        %parallel_loop3A_350 = vector.broadcast %parallel_loop3A_349 : f32 to vector<16xf32>
        %parallel_loop3A_351 = arith.maximumf %parallel_loop3A_318, %parallel_loop3A_350 : vector<16xf32>
        %parallel_loop3A_352 = arith.mulf %parallel_loop3A_318, %parallel_loop3A_322 : vector<16xf32>
        %parallel_loop3A_353 = arith.subf %parallel_loop3A_351, %parallel_loop3A_352 : vector<16xf32>
        %parallel_loop3A_354 = arith.addf %parallel_loop3A_353, %parallel_loop3A_348 : vector<16xf32>
        %parallel_loop3A_355 = arith.mulf %parallel_loop3A_354, %parallel_loop3A_329 : vector<16xf32>
        %parallel_loop3A_356 = arith.addf %parallel_loop3A_174, %parallel_loop3A_355 : vector<16xf32>
        scf.yield %parallel_loop3A_230, %parallel_loop3A_272, %parallel_loop3A_314, %parallel_loop3A_356, %parallel_loop3A_188 : vector<16xf32>, vector<16xf32>, vector<16xf32>, vector<16xf32>, vector<16xi32>
      } {sc.loop_unroll_factor = 2 : i64, sc.parallel_access}
      %add3A_113 = arith.constant 1 : i32
      %add3A_114 = arith.addi %scan3A_43, %add3A_113 : i32
      %lt3A = arith.constant 12 : i32
      %lt3A_115 = arith.cmpi slt, %add3A_114, %lt3A : i32
      %convert_element_type3A = arith.extui %lt3A_115 : i1 to i32
      %cond3A = arith.constant 0 : i32
      %cond3A_116 = arith.cmpi ne, %convert_element_type3A, %cond3A : i32
      scf.if %cond3A_116 {
        %add3A_170 = arith.constant 2 : i32
        %add3A_171 = arith.addi %mul3A_46, %add3A_170 : i32
        %add3A_172 = arith.addi %mul3A_5, %add3A_171 : i32
        %dma_start3A_173 = arith.constant 0 : i32
        %dma_start3A_174 = arith.constant 0 : i32
        %dma_start3A_175 = arith.constant 0 : i32
        %dma_start3A_176 = tpu.memref_slice %arg2[%add3A_172, %dma_start3A_175] : memref<768x25088xf32, #tpu.memory_space<hbm>> -> memref<1x25088xf32, #tpu.memory_space<hbm>>
        %dma_start3A_177 = tpu.memref_squeeze %dma_start3A_176 : memref<1x25088xf32, #tpu.memory_space<hbm>> -> memref<25088xf32, #tpu.memory_space<hbm>>
        %dma_start3A_178 = tpu.memref_slice %arg13[%dma_start3A_173, %dma_start3A_174] : memref<2x3x!tpu.dma_semaphore, #tpu.memory_space<semaphore_mem>> -> memref<1x1x!tpu.dma_semaphore, #tpu.memory_space<semaphore_mem>>
        %dma_start3A_179 = tpu.memref_squeeze %dma_start3A_178 : memref<1x1x!tpu.dma_semaphore, #tpu.memory_space<semaphore_mem>> -> memref<!tpu.dma_semaphore, #tpu.memory_space<semaphore_mem>>
        %dma_start3A_180 = arith.constant 0 : i32
        %dma_start3A_181 = tpu.memref_slice %arg2[%add3A_172, %dma_start3A_180] : memref<768x25088xf32, #tpu.memory_space<hbm>> -> memref<1x25088xf32, #tpu.memory_space<hbm>>
        %dma_start3A_182 = tpu.memref_squeeze %dma_start3A_181 : memref<1x25088xf32, #tpu.memory_space<hbm>> -> memref<25088xf32, #tpu.memory_space<hbm>>
        tpu.enqueue_dma source(%dma_start3A_182 : memref<25088xf32, #tpu.memory_space<hbm>>) target(%arg6 : memref<25088xf32, #tpu.memory_space<vmem>>) target_semaphore(%dma_start3A_179 : memref<!tpu.dma_semaphore, #tpu.memory_space<semaphore_mem>>)
        %dma_start3A_183 = arith.constant 0 : i32
        %dma_start3A_184 = arith.constant 1 : i32
        %dma_start3A_185 = arith.constant 0 : i32
        %dma_start3A_186 = tpu.memref_slice %arg3[%add3A_172, %dma_start3A_185] : memref<768x25088xf32, #tpu.memory_space<hbm>> -> memref<1x25088xf32, #tpu.memory_space<hbm>>
        %dma_start3A_187 = tpu.memref_squeeze %dma_start3A_186 : memref<1x25088xf32, #tpu.memory_space<hbm>> -> memref<25088xf32, #tpu.memory_space<hbm>>
        %dma_start3A_188 = tpu.memref_slice %arg13[%dma_start3A_183, %dma_start3A_184] : memref<2x3x!tpu.dma_semaphore, #tpu.memory_space<semaphore_mem>> -> memref<1x1x!tpu.dma_semaphore, #tpu.memory_space<semaphore_mem>>
        %dma_start3A_189 = tpu.memref_squeeze %dma_start3A_188 : memref<1x1x!tpu.dma_semaphore, #tpu.memory_space<semaphore_mem>> -> memref<!tpu.dma_semaphore, #tpu.memory_space<semaphore_mem>>
        %dma_start3A_190 = arith.constant 0 : i32
        %dma_start3A_191 = tpu.memref_slice %arg3[%add3A_172, %dma_start3A_190] : memref<768x25088xf32, #tpu.memory_space<hbm>> -> memref<1x25088xf32, #tpu.memory_space<hbm>>
        %dma_start3A_192 = tpu.memref_squeeze %dma_start3A_191 : memref<1x25088xf32, #tpu.memory_space<hbm>> -> memref<25088xf32, #tpu.memory_space<hbm>>
        tpu.enqueue_dma source(%dma_start3A_192 : memref<25088xf32, #tpu.memory_space<hbm>>) target(%arg7 : memref<25088xf32, #tpu.memory_space<vmem>>) target_semaphore(%dma_start3A_189 : memref<!tpu.dma_semaphore, #tpu.memory_space<semaphore_mem>>)
        %dma_start3A_193 = arith.constant 0 : i32
        %dma_start3A_194 = arith.constant 2 : i32
        %dma_start3A_195 = arith.constant 0 : i32
        %dma_start3A_196 = tpu.memref_slice %arg4[%add3A_172, %dma_start3A_195] : memref<768x6272xi32, #tpu.memory_space<hbm>> -> memref<1x6272xi32, #tpu.memory_space<hbm>>
        %dma_start3A_197 = tpu.memref_squeeze %dma_start3A_196 : memref<1x6272xi32, #tpu.memory_space<hbm>> -> memref<6272xi32, #tpu.memory_space<hbm>>
        %dma_start3A_198 = tpu.memref_slice %arg13[%dma_start3A_193, %dma_start3A_194] : memref<2x3x!tpu.dma_semaphore, #tpu.memory_space<semaphore_mem>> -> memref<1x1x!tpu.dma_semaphore, #tpu.memory_space<semaphore_mem>>
        %dma_start3A_199 = tpu.memref_squeeze %dma_start3A_198 : memref<1x1x!tpu.dma_semaphore, #tpu.memory_space<semaphore_mem>> -> memref<!tpu.dma_semaphore, #tpu.memory_space<semaphore_mem>>
        %dma_start3A_200 = arith.constant 0 : i32
        %dma_start3A_201 = tpu.memref_slice %arg4[%add3A_172, %dma_start3A_200] : memref<768x6272xi32, #tpu.memory_space<hbm>> -> memref<1x6272xi32, #tpu.memory_space<hbm>>
        %dma_start3A_202 = tpu.memref_squeeze %dma_start3A_201 : memref<1x6272xi32, #tpu.memory_space<hbm>> -> memref<6272xi32, #tpu.memory_space<hbm>>
        tpu.enqueue_dma source(%dma_start3A_202 : memref<6272xi32, #tpu.memory_space<hbm>>) target(%arg8 : memref<6272xi32, #tpu.memory_space<vmem>>) target_semaphore(%dma_start3A_199 : memref<!tpu.dma_semaphore, #tpu.memory_space<semaphore_mem>>)
      } else {
      }
      %add3A_117 = arith.constant 1 : i32
      %add3A_118 = arith.addi %mul3A_46, %add3A_117 : i32
      %add3A_119 = arith.addi %mul3A_5, %add3A_118 : i32
      %dma_wait3A_120 = arith.constant 1 : i32
      %dma_wait3A_121 = arith.constant 0 : i32
      %dma_wait3A_122 = arith.constant 0 : i32
      %dma_wait3A_123 = tpu.memref_slice %arg2[%add3A_119, %dma_wait3A_122] : memref<768x25088xf32, #tpu.memory_space<hbm>> -> memref<1x25088xf32, #tpu.memory_space<hbm>>
      %dma_wait3A_124 = tpu.memref_squeeze %dma_wait3A_123 : memref<1x25088xf32, #tpu.memory_space<hbm>> -> memref<25088xf32, #tpu.memory_space<hbm>>
      %dma_wait3A_125 = tpu.memref_slice %arg13[%dma_wait3A_120, %dma_wait3A_121] : memref<2x3x!tpu.dma_semaphore, #tpu.memory_space<semaphore_mem>> -> memref<1x1x!tpu.dma_semaphore, #tpu.memory_space<semaphore_mem>>
      %dma_wait3A_126 = tpu.memref_squeeze %dma_wait3A_125 : memref<1x1x!tpu.dma_semaphore, #tpu.memory_space<semaphore_mem>> -> memref<!tpu.dma_semaphore, #tpu.memory_space<semaphore_mem>>
      %dma_wait3A_127 = arith.constant 0 : i32
      %dma_wait3A_128 = tpu.memref_slice %arg2[%add3A_119, %dma_wait3A_127] : memref<768x25088xf32, #tpu.memory_space<hbm>> -> memref<1x25088xf32, #tpu.memory_space<hbm>>
      %dma_wait3A_129 = tpu.memref_squeeze %dma_wait3A_128 : memref<1x25088xf32, #tpu.memory_space<hbm>> -> memref<25088xf32, #tpu.memory_space<hbm>>
      tpu.wait_dma2 semaphore(%dma_wait3A_126 : memref<!tpu.dma_semaphore, #tpu.memory_space<semaphore_mem>>) src(%dma_wait3A_129 : memref<25088xf32, #tpu.memory_space<hbm>>) dst(%arg9 : memref<25088xf32, #tpu.memory_space<vmem>>)
      %dma_wait3A_130 = arith.constant 1 : i32
      %dma_wait3A_131 = arith.constant 1 : i32
      %dma_wait3A_132 = arith.constant 0 : i32
      %dma_wait3A_133 = tpu.memref_slice %arg3[%add3A_119, %dma_wait3A_132] : memref<768x25088xf32, #tpu.memory_space<hbm>> -> memref<1x25088xf32, #tpu.memory_space<hbm>>
      %dma_wait3A_134 = tpu.memref_squeeze %dma_wait3A_133 : memref<1x25088xf32, #tpu.memory_space<hbm>> -> memref<25088xf32, #tpu.memory_space<hbm>>
      %dma_wait3A_135 = tpu.memref_slice %arg13[%dma_wait3A_130, %dma_wait3A_131] : memref<2x3x!tpu.dma_semaphore, #tpu.memory_space<semaphore_mem>> -> memref<1x1x!tpu.dma_semaphore, #tpu.memory_space<semaphore_mem>>
      %dma_wait3A_136 = tpu.memref_squeeze %dma_wait3A_135 : memref<1x1x!tpu.dma_semaphore, #tpu.memory_space<semaphore_mem>> -> memref<!tpu.dma_semaphore, #tpu.memory_space<semaphore_mem>>
      %dma_wait3A_137 = arith.constant 0 : i32
      %dma_wait3A_138 = tpu.memref_slice %arg3[%add3A_119, %dma_wait3A_137] : memref<768x25088xf32, #tpu.memory_space<hbm>> -> memref<1x25088xf32, #tpu.memory_space<hbm>>
      %dma_wait3A_139 = tpu.memref_squeeze %dma_wait3A_138 : memref<1x25088xf32, #tpu.memory_space<hbm>> -> memref<25088xf32, #tpu.memory_space<hbm>>
      tpu.wait_dma2 semaphore(%dma_wait3A_136 : memref<!tpu.dma_semaphore, #tpu.memory_space<semaphore_mem>>) src(%dma_wait3A_139 : memref<25088xf32, #tpu.memory_space<hbm>>) dst(%arg10 : memref<25088xf32, #tpu.memory_space<vmem>>)
      %dma_wait3A_140 = arith.constant 1 : i32
      %dma_wait3A_141 = arith.constant 2 : i32
      %dma_wait3A_142 = arith.constant 0 : i32
      %dma_wait3A_143 = tpu.memref_slice %arg4[%add3A_119, %dma_wait3A_142] : memref<768x6272xi32, #tpu.memory_space<hbm>> -> memref<1x6272xi32, #tpu.memory_space<hbm>>
      %dma_wait3A_144 = tpu.memref_squeeze %dma_wait3A_143 : memref<1x6272xi32, #tpu.memory_space<hbm>> -> memref<6272xi32, #tpu.memory_space<hbm>>
      %dma_wait3A_145 = tpu.memref_slice %arg13[%dma_wait3A_140, %dma_wait3A_141] : memref<2x3x!tpu.dma_semaphore, #tpu.memory_space<semaphore_mem>> -> memref<1x1x!tpu.dma_semaphore, #tpu.memory_space<semaphore_mem>>
      %dma_wait3A_146 = tpu.memref_squeeze %dma_wait3A_145 : memref<1x1x!tpu.dma_semaphore, #tpu.memory_space<semaphore_mem>> -> memref<!tpu.dma_semaphore, #tpu.memory_space<semaphore_mem>>
      %dma_wait3A_147 = arith.constant 0 : i32
      %dma_wait3A_148 = tpu.memref_slice %arg4[%add3A_119, %dma_wait3A_147] : memref<768x6272xi32, #tpu.memory_space<hbm>> -> memref<1x6272xi32, #tpu.memory_space<hbm>>
      %dma_wait3A_149 = tpu.memref_squeeze %dma_wait3A_148 : memref<1x6272xi32, #tpu.memory_space<hbm>> -> memref<6272xi32, #tpu.memory_space<hbm>>
      tpu.wait_dma2 semaphore(%dma_wait3A_146 : memref<!tpu.dma_semaphore, #tpu.memory_space<semaphore_mem>>) src(%dma_wait3A_149 : memref<6272xi32, #tpu.memory_space<hbm>>) dst(%arg11 : memref<6272xi32, #tpu.memory_space<vmem>>)
      %parallel_loop3A_150 = arith.constant 0 : i32
      %parallel_loop3A_151 = arith.constant 392 : i32
      %parallel_loop3A_152 = arith.constant 1 : i32
      %parallel_loop3A_153:5 = scf.for %parallel_loop3A_170 = %parallel_loop3A_150 to %parallel_loop3A_151 step %parallel_loop3A_152 iter_args(%parallel_loop3A_171 = %parallel_loop3A_112#0, %parallel_loop3A_172 = %parallel_loop3A_112#1, %parallel_loop3A_173 = %parallel_loop3A_112#2, %parallel_loop3A_174 = %parallel_loop3A_112#3, %parallel_loop3A_175 = %parallel_loop3A_112#4) -> (vector<16xf32>, vector<16xf32>, vector<16xf32>, vector<16xf32>, vector<16xi32>)  : i32 {
        %parallel_loop3A_176 = arith.constant 64 : i32
        %parallel_loop3A_177 = arith.muli %parallel_loop3A_170, %parallel_loop3A_176 : i32
        %parallel_loop3A_178 = arith.constant 16 : i32
        %parallel_loop3A_179 = arith.muli %parallel_loop3A_170, %parallel_loop3A_178 : i32
        %parallel_loop3A_180 = arith.index_cast %parallel_loop3A_179 : i32 to index
        %parallel_loop3A_181 = tpu.vector_load %arg11[%parallel_loop3A_180] {strides = array<i32>} : memref<6272xi32, #tpu.memory_space<vmem>>, vector<16xi32>,
        %parallel_loop3A_182 = arith.constant 16843009 : i32
        %parallel_loop3A_183 = vector.broadcast %parallel_loop3A_182 : i32 to vector<16xi32>
        %parallel_loop3A_184 = arith.muli %parallel_loop3A_181, %parallel_loop3A_183 : vector<16xi32>
        %parallel_loop3A_185 = arith.constant 24 : i32
        %parallel_loop3A_186 = vector.broadcast %parallel_loop3A_185 : i32 to vector<16xi32>
        %parallel_loop3A_187 = arith.shrui %parallel_loop3A_184, %parallel_loop3A_186 : vector<16xi32>
        %parallel_loop3A_188 = arith.addi %parallel_loop3A_175, %parallel_loop3A_187 : vector<16xi32>
        %parallel_loop3A_189 = arith.constant 0 : i32
        %parallel_loop3A_190 = arith.addi %parallel_loop3A_177, %parallel_loop3A_189 : i32
        %parallel_loop3A_191 = arith.index_cast %parallel_loop3A_190 : i32 to index
        %parallel_loop3A_192 = tpu.vector_load %arg9[%parallel_loop3A_191] {strides = array<i32>} : memref<25088xf32, #tpu.memory_space<vmem>>, vector<16xf32>,
        %parallel_loop3A_193 = arith.constant 0 : i32
        %parallel_loop3A_194 = arith.addi %parallel_loop3A_177, %parallel_loop3A_193 : i32
        %parallel_loop3A_195 = arith.index_cast %parallel_loop3A_194 : i32 to index
        %parallel_loop3A_196 = tpu.vector_load %arg10[%parallel_loop3A_195] {strides = array<i32>} : memref<25088xf32, #tpu.memory_space<vmem>>, vector<16xf32>,
        %parallel_loop3A_197 = arith.constant 0 : i32
        %parallel_loop3A_198 = vector.broadcast %parallel_loop3A_197 : i32 to vector<16xi32>
        %parallel_loop3A_199 = arith.shrui %parallel_loop3A_181, %parallel_loop3A_198 : vector<16xi32>
        %parallel_loop3A_200 = arith.constant 1 : i32
        %parallel_loop3A_201 = vector.broadcast %parallel_loop3A_200 : i32 to vector<16xi32>
        %parallel_loop3A_202 = arith.andi %parallel_loop3A_199, %parallel_loop3A_201 : vector<16xi32>
        %parallel_loop3A_203 = arith.sitofp %parallel_loop3A_202 : vector<16xi32> to vector<16xf32>
        %parallel_loop3A_204 = math.absf %parallel_loop3A_192 : vector<16xf32>
        %parallel_loop3A_205 = arith.constant 0.000000e+00 : f32
        %parallel_loop3A_206 = vector.broadcast %parallel_loop3A_205 : f32 to vector<16xf32>
        %parallel_loop3A_207 = arith.subf %parallel_loop3A_206, %parallel_loop3A_204 : vector<16xf32>
        %parallel_loop3A_208 = math.exp %parallel_loop3A_207 : vector<16xf32>
        %parallel_loop3A_209 = arith.constant 0.105843775 : f32
        %parallel_loop3A_210 = vector.broadcast %parallel_loop3A_209 : f32 to vector<16xf32>
        %parallel_loop3A_211 = arith.mulf %parallel_loop3A_210, %parallel_loop3A_208 : vector<16xf32>
        %parallel_loop3A_212 = arith.constant -0.394195616 : f32
        %parallel_loop3A_213 = vector.broadcast %parallel_loop3A_212 : f32 to vector<16xf32>
        %parallel_loop3A_214 = arith.addf %parallel_loop3A_211, %parallel_loop3A_213 : vector<16xf32>
        %parallel_loop3A_215 = arith.mulf %parallel_loop3A_214, %parallel_loop3A_208 : vector<16xf32>
        %parallel_loop3A_216 = arith.constant 9.812560e-01 : f32
        %parallel_loop3A_217 = vector.broadcast %parallel_loop3A_216 : f32 to vector<16xf32>
        %parallel_loop3A_218 = arith.addf %parallel_loop3A_215, %parallel_loop3A_217 : vector<16xf32>
        %parallel_loop3A_219 = arith.mulf %parallel_loop3A_218, %parallel_loop3A_208 : vector<16xf32>
        %parallel_loop3A_220 = arith.constant 5.72167221E-4 : f32
        %parallel_loop3A_221 = vector.broadcast %parallel_loop3A_220 : f32 to vector<16xf32>
        %parallel_loop3A_222 = arith.addf %parallel_loop3A_219, %parallel_loop3A_221 : vector<16xf32>
        %parallel_loop3A_223 = arith.constant 0.000000e+00 : f32
        %parallel_loop3A_224 = vector.broadcast %parallel_loop3A_223 : f32 to vector<16xf32>
        %parallel_loop3A_225 = arith.maximumf %parallel_loop3A_192, %parallel_loop3A_224 : vector<16xf32>
        %parallel_loop3A_226 = arith.mulf %parallel_loop3A_192, %parallel_loop3A_196 : vector<16xf32>
        %parallel_loop3A_227 = arith.subf %parallel_loop3A_225, %parallel_loop3A_226 : vector<16xf32>
        %parallel_loop3A_228 = arith.addf %parallel_loop3A_227, %parallel_loop3A_222 : vector<16xf32>
        %parallel_loop3A_229 = arith.mulf %parallel_loop3A_228, %parallel_loop3A_203 : vector<16xf32>
        %parallel_loop3A_230 = arith.addf %parallel_loop3A_171, %parallel_loop3A_229 : vector<16xf32>
        %parallel_loop3A_231 = arith.constant 16 : i32
        %parallel_loop3A_232 = arith.addi %parallel_loop3A_177, %parallel_loop3A_231 : i32
        %parallel_loop3A_233 = arith.index_cast %parallel_loop3A_232 : i32 to index
        %parallel_loop3A_234 = tpu.vector_load %arg9[%parallel_loop3A_233] {strides = array<i32>} : memref<25088xf32, #tpu.memory_space<vmem>>, vector<16xf32>,
        %parallel_loop3A_235 = arith.constant 16 : i32
        %parallel_loop3A_236 = arith.addi %parallel_loop3A_177, %parallel_loop3A_235 : i32
        %parallel_loop3A_237 = arith.index_cast %parallel_loop3A_236 : i32 to index
        %parallel_loop3A_238 = tpu.vector_load %arg10[%parallel_loop3A_237] {strides = array<i32>} : memref<25088xf32, #tpu.memory_space<vmem>>, vector<16xf32>,
        %parallel_loop3A_239 = arith.constant 8 : i32
        %parallel_loop3A_240 = vector.broadcast %parallel_loop3A_239 : i32 to vector<16xi32>
        %parallel_loop3A_241 = arith.shrui %parallel_loop3A_181, %parallel_loop3A_240 : vector<16xi32>
        %parallel_loop3A_242 = arith.constant 1 : i32
        %parallel_loop3A_243 = vector.broadcast %parallel_loop3A_242 : i32 to vector<16xi32>
        %parallel_loop3A_244 = arith.andi %parallel_loop3A_241, %parallel_loop3A_243 : vector<16xi32>
        %parallel_loop3A_245 = arith.sitofp %parallel_loop3A_244 : vector<16xi32> to vector<16xf32>
        %parallel_loop3A_246 = math.absf %parallel_loop3A_234 : vector<16xf32>
        %parallel_loop3A_247 = arith.constant 0.000000e+00 : f32
        %parallel_loop3A_248 = vector.broadcast %parallel_loop3A_247 : f32 to vector<16xf32>
        %parallel_loop3A_249 = arith.subf %parallel_loop3A_248, %parallel_loop3A_246 : vector<16xf32>
        %parallel_loop3A_250 = math.exp %parallel_loop3A_249 : vector<16xf32>
        %parallel_loop3A_251 = arith.constant 0.105843775 : f32
        %parallel_loop3A_252 = vector.broadcast %parallel_loop3A_251 : f32 to vector<16xf32>
        %parallel_loop3A_253 = arith.mulf %parallel_loop3A_252, %parallel_loop3A_250 : vector<16xf32>
        %parallel_loop3A_254 = arith.constant -0.394195616 : f32
        %parallel_loop3A_255 = vector.broadcast %parallel_loop3A_254 : f32 to vector<16xf32>
        %parallel_loop3A_256 = arith.addf %parallel_loop3A_253, %parallel_loop3A_255 : vector<16xf32>
        %parallel_loop3A_257 = arith.mulf %parallel_loop3A_256, %parallel_loop3A_250 : vector<16xf32>
        %parallel_loop3A_258 = arith.constant 9.812560e-01 : f32
        %parallel_loop3A_259 = vector.broadcast %parallel_loop3A_258 : f32 to vector<16xf32>
        %parallel_loop3A_260 = arith.addf %parallel_loop3A_257, %parallel_loop3A_259 : vector<16xf32>
        %parallel_loop3A_261 = arith.mulf %parallel_loop3A_260, %parallel_loop3A_250 : vector<16xf32>
        %parallel_loop3A_262 = arith.constant 5.72167221E-4 : f32
        %parallel_loop3A_263 = vector.broadcast %parallel_loop3A_262 : f32 to vector<16xf32>
        %parallel_loop3A_264 = arith.addf %parallel_loop3A_261, %parallel_loop3A_263 : vector<16xf32>
        %parallel_loop3A_265 = arith.constant 0.000000e+00 : f32
        %parallel_loop3A_266 = vector.broadcast %parallel_loop3A_265 : f32 to vector<16xf32>
        %parallel_loop3A_267 = arith.maximumf %parallel_loop3A_234, %parallel_loop3A_266 : vector<16xf32>
        %parallel_loop3A_268 = arith.mulf %parallel_loop3A_234, %parallel_loop3A_238 : vector<16xf32>
        %parallel_loop3A_269 = arith.subf %parallel_loop3A_267, %parallel_loop3A_268 : vector<16xf32>
        %parallel_loop3A_270 = arith.addf %parallel_loop3A_269, %parallel_loop3A_264 : vector<16xf32>
        %parallel_loop3A_271 = arith.mulf %parallel_loop3A_270, %parallel_loop3A_245 : vector<16xf32>
        %parallel_loop3A_272 = arith.addf %parallel_loop3A_172, %parallel_loop3A_271 : vector<16xf32>
        %parallel_loop3A_273 = arith.constant 32 : i32
        %parallel_loop3A_274 = arith.addi %parallel_loop3A_177, %parallel_loop3A_273 : i32
        %parallel_loop3A_275 = arith.index_cast %parallel_loop3A_274 : i32 to index
        %parallel_loop3A_276 = tpu.vector_load %arg9[%parallel_loop3A_275] {strides = array<i32>} : memref<25088xf32, #tpu.memory_space<vmem>>, vector<16xf32>,
        %parallel_loop3A_277 = arith.constant 32 : i32
        %parallel_loop3A_278 = arith.addi %parallel_loop3A_177, %parallel_loop3A_277 : i32
        %parallel_loop3A_279 = arith.index_cast %parallel_loop3A_278 : i32 to index
        %parallel_loop3A_280 = tpu.vector_load %arg10[%parallel_loop3A_279] {strides = array<i32>} : memref<25088xf32, #tpu.memory_space<vmem>>, vector<16xf32>,
        %parallel_loop3A_281 = arith.constant 16 : i32
        %parallel_loop3A_282 = vector.broadcast %parallel_loop3A_281 : i32 to vector<16xi32>
        %parallel_loop3A_283 = arith.shrui %parallel_loop3A_181, %parallel_loop3A_282 : vector<16xi32>
        %parallel_loop3A_284 = arith.constant 1 : i32
        %parallel_loop3A_285 = vector.broadcast %parallel_loop3A_284 : i32 to vector<16xi32>
        %parallel_loop3A_286 = arith.andi %parallel_loop3A_283, %parallel_loop3A_285 : vector<16xi32>
        %parallel_loop3A_287 = arith.sitofp %parallel_loop3A_286 : vector<16xi32> to vector<16xf32>
        %parallel_loop3A_288 = math.absf %parallel_loop3A_276 : vector<16xf32>
        %parallel_loop3A_289 = arith.constant 0.000000e+00 : f32
        %parallel_loop3A_290 = vector.broadcast %parallel_loop3A_289 : f32 to vector<16xf32>
        %parallel_loop3A_291 = arith.subf %parallel_loop3A_290, %parallel_loop3A_288 : vector<16xf32>
        %parallel_loop3A_292 = math.exp %parallel_loop3A_291 : vector<16xf32>
        %parallel_loop3A_293 = arith.constant 0.105843775 : f32
        %parallel_loop3A_294 = vector.broadcast %parallel_loop3A_293 : f32 to vector<16xf32>
        %parallel_loop3A_295 = arith.mulf %parallel_loop3A_294, %parallel_loop3A_292 : vector<16xf32>
        %parallel_loop3A_296 = arith.constant -0.394195616 : f32
        %parallel_loop3A_297 = vector.broadcast %parallel_loop3A_296 : f32 to vector<16xf32>
        %parallel_loop3A_298 = arith.addf %parallel_loop3A_295, %parallel_loop3A_297 : vector<16xf32>
        %parallel_loop3A_299 = arith.mulf %parallel_loop3A_298, %parallel_loop3A_292 : vector<16xf32>
        %parallel_loop3A_300 = arith.constant 9.812560e-01 : f32
        %parallel_loop3A_301 = vector.broadcast %parallel_loop3A_300 : f32 to vector<16xf32>
        %parallel_loop3A_302 = arith.addf %parallel_loop3A_299, %parallel_loop3A_301 : vector<16xf32>
        %parallel_loop3A_303 = arith.mulf %parallel_loop3A_302, %parallel_loop3A_292 : vector<16xf32>
        %parallel_loop3A_304 = arith.constant 5.72167221E-4 : f32
        %parallel_loop3A_305 = vector.broadcast %parallel_loop3A_304 : f32 to vector<16xf32>
        %parallel_loop3A_306 = arith.addf %parallel_loop3A_303, %parallel_loop3A_305 : vector<16xf32>
        %parallel_loop3A_307 = arith.constant 0.000000e+00 : f32
        %parallel_loop3A_308 = vector.broadcast %parallel_loop3A_307 : f32 to vector<16xf32>
        %parallel_loop3A_309 = arith.maximumf %parallel_loop3A_276, %parallel_loop3A_308 : vector<16xf32>
        %parallel_loop3A_310 = arith.mulf %parallel_loop3A_276, %parallel_loop3A_280 : vector<16xf32>
        %parallel_loop3A_311 = arith.subf %parallel_loop3A_309, %parallel_loop3A_310 : vector<16xf32>
        %parallel_loop3A_312 = arith.addf %parallel_loop3A_311, %parallel_loop3A_306 : vector<16xf32>
        %parallel_loop3A_313 = arith.mulf %parallel_loop3A_312, %parallel_loop3A_287 : vector<16xf32>
        %parallel_loop3A_314 = arith.addf %parallel_loop3A_173, %parallel_loop3A_313 : vector<16xf32>
        %parallel_loop3A_315 = arith.constant 48 : i32
        %parallel_loop3A_316 = arith.addi %parallel_loop3A_177, %parallel_loop3A_315 : i32
        %parallel_loop3A_317 = arith.index_cast %parallel_loop3A_316 : i32 to index
        %parallel_loop3A_318 = tpu.vector_load %arg9[%parallel_loop3A_317] {strides = array<i32>} : memref<25088xf32, #tpu.memory_space<vmem>>, vector<16xf32>,
        %parallel_loop3A_319 = arith.constant 48 : i32
        %parallel_loop3A_320 = arith.addi %parallel_loop3A_177, %parallel_loop3A_319 : i32
        %parallel_loop3A_321 = arith.index_cast %parallel_loop3A_320 : i32 to index
        %parallel_loop3A_322 = tpu.vector_load %arg10[%parallel_loop3A_321] {strides = array<i32>} : memref<25088xf32, #tpu.memory_space<vmem>>, vector<16xf32>,
        %parallel_loop3A_323 = arith.constant 24 : i32
        %parallel_loop3A_324 = vector.broadcast %parallel_loop3A_323 : i32 to vector<16xi32>
        %parallel_loop3A_325 = arith.shrui %parallel_loop3A_181, %parallel_loop3A_324 : vector<16xi32>
        %parallel_loop3A_326 = arith.constant 1 : i32
        %parallel_loop3A_327 = vector.broadcast %parallel_loop3A_326 : i32 to vector<16xi32>
        %parallel_loop3A_328 = arith.andi %parallel_loop3A_325, %parallel_loop3A_327 : vector<16xi32>
        %parallel_loop3A_329 = arith.sitofp %parallel_loop3A_328 : vector<16xi32> to vector<16xf32>
        %parallel_loop3A_330 = math.absf %parallel_loop3A_318 : vector<16xf32>
        %parallel_loop3A_331 = arith.constant 0.000000e+00 : f32
        %parallel_loop3A_332 = vector.broadcast %parallel_loop3A_331 : f32 to vector<16xf32>
        %parallel_loop3A_333 = arith.subf %parallel_loop3A_332, %parallel_loop3A_330 : vector<16xf32>
        %parallel_loop3A_334 = math.exp %parallel_loop3A_333 : vector<16xf32>
        %parallel_loop3A_335 = arith.constant 0.105843775 : f32
        %parallel_loop3A_336 = vector.broadcast %parallel_loop3A_335 : f32 to vector<16xf32>
        %parallel_loop3A_337 = arith.mulf %parallel_loop3A_336, %parallel_loop3A_334 : vector<16xf32>
        %parallel_loop3A_338 = arith.constant -0.394195616 : f32
        %parallel_loop3A_339 = vector.broadcast %parallel_loop3A_338 : f32 to vector<16xf32>
        %parallel_loop3A_340 = arith.addf %parallel_loop3A_337, %parallel_loop3A_339 : vector<16xf32>
        %parallel_loop3A_341 = arith.mulf %parallel_loop3A_340, %parallel_loop3A_334 : vector<16xf32>
        %parallel_loop3A_342 = arith.constant 9.812560e-01 : f32
        %parallel_loop3A_343 = vector.broadcast %parallel_loop3A_342 : f32 to vector<16xf32>
        %parallel_loop3A_344 = arith.addf %parallel_loop3A_341, %parallel_loop3A_343 : vector<16xf32>
        %parallel_loop3A_345 = arith.mulf %parallel_loop3A_344, %parallel_loop3A_334 : vector<16xf32>
        %parallel_loop3A_346 = arith.constant 5.72167221E-4 : f32
        %parallel_loop3A_347 = vector.broadcast %parallel_loop3A_346 : f32 to vector<16xf32>
        %parallel_loop3A_348 = arith.addf %parallel_loop3A_345, %parallel_loop3A_347 : vector<16xf32>
        %parallel_loop3A_349 = arith.constant 0.000000e+00 : f32
        %parallel_loop3A_350 = vector.broadcast %parallel_loop3A_349 : f32 to vector<16xf32>
        %parallel_loop3A_351 = arith.maximumf %parallel_loop3A_318, %parallel_loop3A_350 : vector<16xf32>
        %parallel_loop3A_352 = arith.mulf %parallel_loop3A_318, %parallel_loop3A_322 : vector<16xf32>
        %parallel_loop3A_353 = arith.subf %parallel_loop3A_351, %parallel_loop3A_352 : vector<16xf32>
        %parallel_loop3A_354 = arith.addf %parallel_loop3A_353, %parallel_loop3A_348 : vector<16xf32>
        %parallel_loop3A_355 = arith.mulf %parallel_loop3A_354, %parallel_loop3A_329 : vector<16xf32>
        %parallel_loop3A_356 = arith.addf %parallel_loop3A_174, %parallel_loop3A_355 : vector<16xf32>
        scf.yield %parallel_loop3A_230, %parallel_loop3A_272, %parallel_loop3A_314, %parallel_loop3A_356, %parallel_loop3A_188 : vector<16xf32>, vector<16xf32>, vector<16xf32>, vector<16xf32>, vector<16xi32>
      } {sc.loop_unroll_factor = 2 : i64, sc.parallel_access}
      %add3A_154 = arith.addf %parallel_loop3A_153#0, %parallel_loop3A_153#1 : vector<16xf32>
      %add3A_155 = arith.addf %parallel_loop3A_153#2, %parallel_loop3A_153#3 : vector<16xf32>
      %add3A_156 = arith.addf %add3A_154, %add3A_155 : vector<16xf32>
      %reduce_sum3A = arith.constant true
      %reduce_sum3A_157 = vector.broadcast %reduce_sum3A : i1 to vector<16xi1>
      %reduce_sum3A_158 = tpu.scan <sum>, %add3A_156 masked %reduce_sum3A_157 : vector<16xf32>, vector<16xi1> -> vector<16xf32>
      %reduce_sum3A_159 = vector.extract %reduce_sum3A_158[15] : f32 from vector<16xf32>
      %reduce_sum3A_160 = arith.constant true
      %reduce_sum3A_161 = vector.broadcast %reduce_sum3A_160 : i1 to vector<16xi1>
      %reduce_sum3A_162 = tpu.scan <sum>, %parallel_loop3A_153#4 masked %reduce_sum3A_161 : vector<16xi32>, vector<16xi1> -> vector<16xi32>
      %reduce_sum3A_163 = vector.extract %reduce_sum3A_162[15] : i32 from vector<16xi32>
      %convert_element_type3A_164 = arith.sitofp %reduce_sum3A_163 : i32 to f32
      %broadcast_in_dim3A_165 = vector.broadcast %reduce_sum3A_159 : f32 to vector<16xf32>
      %broadcast_in_dim3A_166 = vector.broadcast %convert_element_type3A_164 : f32 to vector<16xf32>
      %max3A = arith.constant 1.000000e+00 : f32
      %max3A_167 = vector.broadcast %max3A : f32 to vector<16xf32>
      %max3A_168 = arith.maximumf %broadcast_in_dim3A_166, %max3A_167 : vector<16xf32>
      %div3A = arith.divf %broadcast_in_dim3A_165, %max3A_168 : vector<16xf32>
      %eq3A = vector.broadcast %scan3A_43 : i32 to vector<16xi32>
      %eq3A_169 = arith.cmpi eq, %iota3A, %eq3A : vector<16xi32>
      %select_n3A = arith.select %eq3A_169, %div3A, %scan3A_44 : vector<16xi1>, vector<16xf32>
      scf.yield %select_n3A : vector<16xf32>
    }
    %scan3A_41 = arith.constant 12 : i32
    %swap3A = arith.constant 0 : index
    %swap3A_42 = tpu.vector_load %arg12[%swap3A] {strides = array<i32>} : memref<16xf32, #tpu.memory_space<vmem>>, vector<16xf32>,
    tpu.vector_store %arg12[%swap3A], %scan3A_40 {strides = array<i32>} : memref<16xf32, #tpu.memory_space<vmem>>, vector<16xf32>,
    "tpu.region"() ({
      %run_scoped3A = tpu.sem_alloc : memref<!tpu.dma_semaphore, #tpu.memory_space<semaphore_mem>>
      %dma_start3A_43 = arith.constant 0 : i32
      %dma_start3A_44 = tpu.memref_slice %arg5[%add3A, %dma_start3A_43] : memref<32x16xf32, #tpu.memory_space<hbm>> -> memref<1x16xf32, #tpu.memory_space<hbm>>
      %dma_start3A_45 = tpu.memref_squeeze %dma_start3A_44 : memref<1x16xf32, #tpu.memory_space<hbm>> -> memref<16xf32, #tpu.memory_space<hbm>>
      %dma_start3A_46 = arith.constant 0 : i32
      %dma_start3A_47 = tpu.memref_slice %arg5[%add3A, %dma_start3A_46] : memref<32x16xf32, #tpu.memory_space<hbm>> -> memref<1x16xf32, #tpu.memory_space<hbm>>
      %dma_start3A_48 = tpu.memref_squeeze %dma_start3A_47 : memref<1x16xf32, #tpu.memory_space<hbm>> -> memref<16xf32, #tpu.memory_space<hbm>>
      tpu.enqueue_dma source(%arg12 : memref<16xf32, #tpu.memory_space<vmem>>) target(%dma_start3A_48 : memref<16xf32, #tpu.memory_space<hbm>>) target_semaphore(%run_scoped3A : memref<!tpu.dma_semaphore, #tpu.memory_space<semaphore_mem>>)
      %dma_wait3A = arith.constant 0 : i32
      %dma_wait3A_49 = tpu.memref_slice %arg5[%add3A, %dma_wait3A] : memref<32x16xf32, #tpu.memory_space<hbm>> -> memref<1x16xf32, #tpu.memory_space<hbm>>
      %dma_wait3A_50 = tpu.memref_squeeze %dma_wait3A_49 : memref<1x16xf32, #tpu.memory_space<hbm>> -> memref<16xf32, #tpu.memory_space<hbm>>
      %dma_wait3A_51 = arith.constant 0 : i32
      %dma_wait3A_52 = tpu.memref_slice %arg5[%add3A, %dma_wait3A_51] : memref<32x16xf32, #tpu.memory_space<hbm>> -> memref<1x16xf32, #tpu.memory_space<hbm>>
      %dma_wait3A_53 = tpu.memref_squeeze %dma_wait3A_52 : memref<1x16xf32, #tpu.memory_space<hbm>> -> memref<16xf32, #tpu.memory_space<hbm>>
      tpu.wait_dma2 semaphore(%run_scoped3A : memref<!tpu.dma_semaphore, #tpu.memory_space<semaphore_mem>>) src(%arg12 : memref<16xf32, #tpu.memory_space<vmem>>) dst(%dma_wait3A_53 : memref<16xf32, #tpu.memory_space<hbm>>)
      tpu.yield
    }) : () -> ()
    return
  }
}

</mosaic_0001>

<sc_bundles>
// kernel: kernel.3.cloned.1.call-start
scs
__scs_entry_jumppad:
0x0: {  	(pc) =	sbr.rel $0x88, $3  }
0x1: {  	(tag) =	ssettag $0x0;
	lr =	simm.s32 $0x1  }
0x2: {  	[smem:$0x3F9E] =	sst lr;
	_ =	strace $0xD0000000  }
0x3: {  	_ = 	snop  }
0x4: {  	_ = 	snop  }
0x5: {  	_ = 	snop  }
0x6: {  	_ = 	snop  }
0x7: {  	_ = 	snop  }
__scs_overlays_trampoline_lowered:
0x8: {  	[smem:$0x3FAD] =	sst s0  }
0x9: {  	[smem:$0x3FAE] =	sst s1  }
0xa: {  	[smem:$0x3FAF] =	sst s2  }
0xb: {  	[smem:$0x3FB0] =	sst s3  }
0xc: {  	[smem:$0x3FB1] =	sst s4  }
0xd: {  	[smem:$0x3FB2] =	sst s5  }
0xe: {  	[smem:$0x3FB3] =	sst s6  }
0xf: {  	[smem:$0x3FB4] =	sst s7  }
0x10: {  	[smem:$0x3FB5] =	sst s8  }
0x11: {  	[smem:$0x3FB6] =	sst s9;
	s0 =	simm.s32 @!p0 $0x0  }
0x12: {  	s1 =	sld [smem:$0x3F9C];
	s0 =	simm.s32 @p0 $0x1  }
0x13: {  	[smem:$0x3FB7] =	sst s0;
	s0 =	simm.s32 @!p1 $0x0  }
0x14: {  	s2 =	sld [smem:$0x3F9B];
	s0 =	simm.s32 @p1 $0x1  }
0x15: {  	[smem:$0x3FB8] =	sst s0;
	s0 =	simm.s32 @!p2 $0x0  }
0x16: {  	s3 =	sld [smem:$0x3FDB];
	s0 =	simm.s32 @p2 $0x1  }
0x17: {  	s4 =	simm.s32 $0x1BF5;
	[smem:$0x3FBA] =	sst s0  }
0x18: {  	s0 =	sld [smem:$0x3F9D];
	_ =	swait.ge [sflag:s4], $0x0  }
0x19: {  	s7 =	sld [smem:$0x3F9E]  }
0x1a: {  	s8 =	sadd.s32 $0xFFFFE003, lr  }
0x1b: {  	s9 =	sadd.s32 $0xFFFFFEF7, lr;
	s5 =	simm.s32 $0xFFFFFFFF;
	p2 =	slt.u32 s8, $0xFFFFF086  }
0x1c: {  	p1 =	slt.u32 s9, $0xF7A;
	s5 =	simm.s32 @!p2 $0x0  }
0x1d: {  	s5 =	simm.s32 @p1 $0x1;
	p0 =	seq.s32 s7, s2  }
0x1e: {  	s7 =	smul.u32 @!p0 $0xF7A, s2;
	p2 =	seq.s32 @!p0 s5, $0x0  }
0x1f: {  	s9 =	smul.u32 $0xF7A, s1;
	s8 =	simm.s32 @!p0 $0x1BF5;
	p2 =	por !p2, p0  }
0x20: {  	[sflag:s8] =	ssyncset.s32 @!p0 $0xFFFFF086;
	s6 =	sadd.s32 @!p0 s3, s7;
	s7 =	simm.s32 @!p0 $0x108  }
0x21: {  	s3 =	sadd.s32 s3, s9;
	s6 =	sadd.s32 @!p0 $0x88, s6;
	s7 =	simm.s32 @p2 $0x1082  }
0x22: {  	[simem:s7], [sflag:s8] =	dma.local @!p0 [hbm:s6], $0xF7A  }
0x23: {  	s9 =	sor.u32 $0xD0000000, s2;
	s6 =	simm.s32 $0x108;
	_ =	swait.ge @!p0 [sflag:s8], $0x0  }
0x24: {  	s3 =	sadd.s32 $0x88, s3;
	s6 =	simm.s32 @!p1 $0x1082;
	[sflag:s4] =	ssyncset.s32 $0xFFFFF086  }
0x25: {  	[simem:s6], [sflag:s4] =	dma.local [hbm:s3], $0xF7A  }
0x26: {  	[smem:$0x3F9E] =	sst s1;
	(tag) =	ssettag s2;
	_ =	strace s9  }
0x27: {  	s1 =	sld [smem:$0x3FAE]  }
0x28: {  	s2 =	sld [smem:$0x3FAF]  }
0x29: {  	s4 =	sld [smem:$0x3FB1]  }
0x2a: {  	p0 =	seq.s32 s5, $0x0;
	s5 =	sld [smem:$0x3FB2]  }
0x2b: {  	s6 =	sld [smem:$0x3FB3]  }
0x2c: {  	s7 =	sld [smem:$0x3FB4]  }
0x2d: {  	s3 =	simm.s32 $0x108;
	s8 =	sld [smem:$0x3FB5]  }
0x2e: {  	s3 =	simm.s32 @!p0 $0x1082;
	s9 =	sld [smem:$0x3FB6]  }
0x2f: {  	lr =	sadd.s32 s0, s3;
	s0 =	sld [smem:$0x3FAD]  }
0x30: {  	s3 =	sld [smem:$0x3FB0]  }
0x31: {  	[smem:$0x3FB9] =	sst s10  }
0x32: {  	s10 =	sld [smem:$0x3FB7];
	_ =	sdelay $0x3  }
0x33: {  	p0 =	seq.s32 s10, $0x1;
	s10 =	sld [smem:$0x3FB9];
	_ =	sdelay $0x3  }
0x34: {  	[smem:$0x3FB9] =	sst s10  }
0x35: {  	s10 =	sld [smem:$0x3FB8];
	_ =	sdelay $0x3  }
0x36: {  	p1 =	seq.s32 s10, $0x1;
	s10 =	sld [smem:$0x3FB9];
	_ =	sdelay $0x3  }
0x37: {  	[smem:$0x3FB9] =	sst s10  }
0x38: {  	s10 =	sld [smem:$0x3FBA]  }
0x39: {  	_ = 	snop;
	(pc) =	sbr.ind lr, $3  }
0x3a: {  	_ = 	snop  }
0x3b: {  	_ = 	snop  }
0x3c: {  	p2 =	seq.s32 s10, $0x1;
	s10 =	sld [smem:$0x3FB9]  }
0x3d: {  	_ =	shalt  }
0x3e: {  	_ =	shalt  }
0x3f: {  	_ =	shalt  }
0x40: {  	_ =	shalt  }
0x41: {  	_ =	shalt  }
0x42: {  	_ =	shalt  }
0x43: {  	_ =	shalt  }
0x44: {  	_ =	shalt  }
0x45: {  	_ =	shalt  }
0x46: {  	_ =	shalt  }
0x47: {  	_ =	shalt  }
0x48: {  	_ =	shalt  }
0x49: {  	_ =	shalt  }
0x4a: {  	_ =	shalt  }
0x4b: {  	_ =	shalt  }
0x4c: {  	_ =	shalt  }
0x4d: {  	_ =	shalt  }
0x4e: {  	_ =	shalt  }
0x4f: {  	_ =	shalt  }
0x50: {  	_ =	shalt  }
0x51: {  	_ =	shalt  }
0x52: {  	_ =	shalt  }
0x53: {  	_ =	shalt  }
0x54: {  	_ =	shalt  }
0x55: {  	_ =	shalt  }
0x56: {  	_ =	shalt  }
0x57: {  	_ =	shalt  }
0x58: {  	_ =	shalt  }
0x59: {  	_ =	shalt  }
0x5a: {  	_ =	shalt  }
0x5b: {  	_ =	shalt  }
0x5c: {  	_ =	shalt  }
0x5d: {  	_ =	shalt  }
0x5e: {  	_ =	shalt  }
0x5f: {  	_ =	shalt  }
0x60: {  	_ =	shalt  }
0x61: {  	_ =	shalt  }
0x62: {  	_ =	shalt  }
0x63: {  	_ =	shalt  }
0x64: {  	_ =	shalt  }
0x65: {  	_ =	shalt  }
0x66: {  	_ =	shalt  }
0x67: {  	_ =	shalt  }
0x68: {  	_ =	shalt  }
0x69: {  	_ =	shalt  }
0x6a: {  	_ =	shalt  }
0x6b: {  	_ =	shalt  }
0x6c: {  	_ =	shalt  }
0x6d: {  	_ =	shalt  }
0x6e: {  	_ =	shalt  }
0x6f: {  	_ =	shalt  }
0x70: {  	_ =	shalt  }
0x71: {  	_ =	shalt  }
0x72: {  	_ =	shalt  }
0x73: {  	_ =	shalt  }
0x74: {  	_ =	shalt  }
0x75: {  	_ =	shalt  }
0x76: {  	_ =	shalt  }
0x77: {  	_ =	shalt  }
0x78: {  	_ =	shalt  }
0x79: {  	_ =	shalt  }
0x7a: {  	_ =	shalt  }
0x7b: {  	_ =	shalt  }
0x7c: {  	_ =	shalt  }
0x7d: {  	_ =	shalt  }
0x7e: {  	_ =	shalt  }
0x7f: {  	_ =	shalt  }
0x80: {  	_ =	shalt  }
0x81: {  	_ =	shalt  }
0x82: {  	_ =	shalt  }
0x83: {  	_ =	shalt  }
0x84: {  	_ =	shalt  }
0x85: {  	_ =	shalt  }
0x86: {  	_ =	shalt  }
0x87: {  	_ =	shalt  }
.Lfunc_end0:
.L_simem_size_0:
called_computation_lowered:
.L_overlay_start_0:
0x88: {  	s2 =	sld [smem:$0x3FD9]  }
0x89: {  	s3 =	sld [smem:$0x3FFE];
	_ =	sdelay $0x1  }
0x8a: {  	s1 =	srdreg.scid  }
0x8b: {  	s0 =	sand.u32 $0x1, s1  }
0x8c: {  	s16 =	sshll.u32 s0, $0xA;
	s2 =	sadd.s32 s3, s2  }
0x8d: {  	s2 =	sadd.s32 s2, s16  }
0x8e: {  	[smem:$0x3FC5] =	sst s2  }
0x8f: {  	_ = 	snop  }
0x90: {  	(tm) =	ssettm $0x1  }
0x91: {  	s17 =	sld [smem:$0x3FFB];
	_ =	sdelay $0x3  }
0x92: {  	_ =	strace s17  }
0x93: {  	s2 =	sld [smem:$0x3FFC];
	_ =	sdelay $0x3  }
0x94: {  	_ =	strace s2  }
0x95: {  	s2 =	sld [smem:$0x3FFD];
	_ =	sdelay $0x3  }
0x96: {  	_ =	strace s2  }
0x97: {  	_ =	strace $0x8FFFFFFF  }
0x98: {  	s18 =	sld [smem:$0x3FDB];
	_ =	sdelay $0x1  }
0x99: {  	s19 =	simm.s32 $_scs_section_size  }
0x9a: {  	s4 =	simm.s32 $_size__tile_overlayer_lowered;
	s5 =	simm.s32 $_tile_overlayer_lowered  }
0x9b: {  	s22 =	simm.s32 $0x1BFF;
	s21 =	sshll.u32 s5, $0x1;
	s2 =	sadd.s32 s19, s18  }
0x9c: {  	s6 =	simm.s32 $0x0;
	s20 =	sshll.u32 s4, $0x1;
	s4 =	sadd.s32 s21, s2  }
0x9d: {  	[timem:s6], [sflag:s22] =	dma.local [hbm:s4], s20  }
0x9e: {  	_ =	swait.ge [sflag:s22], s20  }
0x9f: {  	s3 =	ssub.s32 $0x0, s20;
	[sflag:s22] =	ssyncset.done $0x0  }
0xa0: {  	[sflag:s22] =	ssyncadd.s32 s3;
	_ =	sdelay $0x1  }
0xa1: {  	s23 =	simm.s32 $0x1B8B  }
0xa2: {  	_ =	swait.ge [sflag:s23], $0x1  }
0xa3: {  	[sflag:s23] =	ssyncset.done $0x0  }
0xa4: {  	s25 =	simm.s32 $0x1B8E;
	s24 =	sld [smem:$0x3FFE];
	[sflag:s23] =	ssyncadd.s32 $0xFFFFFFFF  }
0xa5: {  	s26 =	simm.s32 $execute0_lowered;
	[smem:$0x3FD2] =	sst s25  }
0xa6: {  	s4 =	sshll.u32 s26, $0x1;
	_ =	strace $0x80000046;
	[dreg:$0x1] =	wrdreg $0xFFFFFFFF  }
0xa7: {  	s28 =	simm.s32 $_size_execute0_lowered;
	s2 =	sadd.s32 s2, s4;
	[dreg:$0x0] =	wrdreg $0x0  }
0xa8: {  	s4 =	sshll.u32 s28, $0x1;
	[dreg:$0x2] =	wrdreg s2  }
0xa9: {  	[dreg:$0x3] =	wrdreg s4  }
0xaa: {  	[dreg:$0x4] =	wrdreg $0xC0  }
0xab: {  	_ =	task [dreg:s6], $0x5FFFF  }
0xac: {  	[dreg:$0x1] =	wrdreg $0xFFFFFFFF  }
0xad: {  	[dreg:$0x0] =	wrdreg $0x60  }
0xae: {  	[dreg:$0x2] =	wrdreg s24  }
0xaf: {  	[dreg:$0x3] =	wrdreg $0x9  }
0xb0: {  	_ =	task.clear_ibuf [dreg:s6], $0x4FFFF;
	_ =	strace $0x90000046  }
0xb1: {  	s29 =	simm.s32 $0x9;
	_ =	strace $0x80000048  }
0xb2: {  	_ =	swait.ge [sflag:s29], $0x1  }
0xb3: {  	[sflag:s29] =	ssyncadd.s32 $0xFFFFFFFF  }
0xb4: {  	_ =	strace $0x90000048  }
0xb5: {  	_ =	sfence  }
0xb6: {  	s30 =	sld [smem:$0x0];
	_ =	sdelay $0x2  }
0xb7: {  	s31 =	sshll.u32 s1, $0xD;
	s1 =	sshrl.u32 s1, $0x2  }
0xb8: {  	s3 =	sand.u32 $0x4000, s31;
	s1 =	sadd.s32 s1, s30  }
0xb9: {  	s0 =	sor.u32 s3, s0;
	s1 =	sshll.u32 s1, $0x11  }
0xba: {  	s0 =	sor.u32 s1, s0  }
0xbb: {  	s0 =	sadd.s32 $0x8F2B, s0  }
0xbc: {  	[sflag:s0] =	ssyncadd.remote.s32 $0x1  }
0xbd: {  	_ =	sfence.sel $0xFFFF  }
0xbe: {  	[dreg:$0x0] =	wrdreg $0xFFFFFFFF;
	(pc) =	sbr.abs _section_cstart, $3  }
0xbf: {  	[dreg:$0x1] =	wrdreg $0xFFFFFFFF  }
0xc0: {  	_ =	task.clear_ibuf [dreg:s6], $0x2FFFF;
	_ =	strace $0x9FFFFFFF  }
0xc1: {  	(tm) =	ssettm $0x7FFFFFFF  }
tec
execute0_lowered:
.L_overlay_start_1:
0x0: {  	(tag) =	ssettag $0x1  }
0x1: {  	s0 =	srdreg.scid  }
0x2: {  	s1 =	stileid.u32;
	s7 =	rddreg [dreg:$0x0]  }
0x3: {  	s2 =	simm.s32 $0x0;
	s12 =	simm.s32 $0x80;
	s13 =	simm.s32 $0x400  }
0x4: {  	s16 =	simm.s32 $0xDC80;
	s17 =	simm.s32 $0x13E80;
	s18 =	simm.s32 $0x1A080  }
0x5: {  	s19 =	simm.s32 $0x1;
	s20 =	simm.s32 $0x2;
	s21 =	simm.s32 $0x3  }
0x6: {  	s22 =	simm.s32 $0x4;
	s0 =	sand.u32 $0x1, s0;
	s1 =	sshll.u32 s1, $0x1  }
0x7: {  	s23 =	simm.s32 $0x5;
	s24 =	simm.s32 $0x6;
	s1 =	sor.u32 s0, s1  }
0x8: {  	s26 =	simm.s32 $0x7;
	s28 =	simm.s32 $0x0;
	s3 =	smul.u32 $0x18, s1  }
0x9: {  	[smem:$0x7FF] =	sst s2;
	s4 =	sadd.s32 $0x93200, s7;
	s5 =	sadd.s32 $0x2DF200, s7  }
0xa: {  	_ =	strace $0x80000047;
	s0 =	ssub.s32 $0x2, s0;
	s6 =	sshrl.u32 s3, $0x3  }
0xb: {  	s1 =	sshll.u32 s1, $0x4;
	s9 =	sshrl.u32 s0, $0x1;
	s8 =	smul.u32 $0x6200, s6  }
0xc: {  	s1 =	sadd.s32 s1, s7;
	s0 =	ssub.s32 s0, s9;
	s10 =	smul.u32 $0x1880, s6  }
0xd: {  	s11 =	smax.u32 s0, $0x1;
	s6 =	sadd.s32 $0x200, s7;
	s7 =	sadd.s32 s4, s8  }
0xe: {  	v0 =	vlaneseq.u32;
	s8 =	sadd.s32 s5, s8;
	s9 =	sadd.s32 s6, s10;
	s10 =	sadd.s32 $0x52B200, s1  }
.LBB2_1:
0xf: {  	[tilespmem:s2], [sflag:$0x1] =	stream.strided.gather [hbm4b:s7+s12], $0x6200, s13, s12, $0x38;
	[tilespmem:$0x1B980] =	vst v63  }
0x10: {  	s0 =	simm.s32 $0x6200  }
0x11: {  	[tilespmem:s0], [sflag:$0x2] =	stream.strided.gather [hbm4b:s8+s12], $0x6200, s13, s12, $0x38;
	[tilespmem:$0x1B980] =	vst v63  }
0x12: {  	s31 =	simm.s32 $0xC400;
	s29 =	simm.s32 $0x0  }
0x13: {  	v1 =	vimm.f32 $0.0e+00;
	[tilespmem:s31], [sflag:$0x3] =	stream.strided.gather [hbm4b:s9+s12], $0x1880, s13, s12, $0x38;
	[tilespmem:$0x1B980] =	vst v63  }
.LBB2_2:
0x14: {  	s30 =	sshll.u32 s29, $0x1  }
0x15: {  	s0 =	sadd.s32 s3, s30  }
0x16: {  	s1 =	sshll.u32 s29, $0x8;
	s0 =	sshrl.u32 s0, $0x3  }
0x17: {  	s1 =	sand.u32 $0x300, s1;
	s14 =	smul.u32 $0x31000, s0  }
0x18: {  	s1 =	sor.u32 $0x80, s1  }
0x19: {  	s0 =	smul.u32 $0xC400, s0;
	s14 =	sor.u32 s1, s14  }
0x1a: {  	s14 =	sshrl.u32 s14, $0x3  }
0x1b: {  	s0 =	sor.u32 s1, s0;
	s31 =	sadd.s32 s4, s14  }
0x1c: {  	[tilespmem:s16], [sflag:$0x4] =	stream.strided.gather [hbm4b:s31+s12], $0x6200, s13, s12, $0x38;
	[tilespmem:$0x1B980] =	vst v63  }
0x1d: {  	s0 =	sshrl.u32 s0, $0x3;
	s14 =	sadd.s32 s5, s14  }
0x1e: {  	[tilespmem:s17], [sflag:$0x5] =	stream.strided.gather [hbm4b:s14+s12], $0x6200, s13, s12, $0x38;
	[tilespmem:$0x1B980] =	vst v63  }
0x1f: {  	s0 =	sadd.s32 s6, s0  }
0x20: {  	[tilespmem:s18], [sflag:$0x6] =	stream.strided.gather [hbm4b:s0+s12], $0x1880, s13, s12, $0x38;
	[tilespmem:$0x1B980] =	vst v63  }
0x21: {  	_ =	swait.ge [sflag:s19], $0x6200  }
0x22: {  	[sflag:s19] =	ssyncset.done $0x0  }
0x23: {  	[sflag:s19] =	ssyncadd.s32 $0xFFFF9E00  }
0x24: {  	_ =	swait.ge [sflag:s20], $0x6200  }
0x25: {  	[sflag:s20] =	ssyncset.done $0x0  }
0x26: {  	[sflag:s20] =	ssyncadd.s32 $0xFFFF9E00  }
0x27: {  	_ =	swait.ge [sflag:s21], $0x1880  }
0x28: {  	[sflag:s21] =	ssyncset.done $0x0  }
0x29: {  	s25 =	simm.s32 $0xC410;
	[sflag:s21] =	ssyncadd.s32 $0xFFFFE780  }
0x2a: {  	v3 =	vld [tilespmem:s25+$0x0]  }
0x2b: {  	s31 =	simm.s32 $0x6240;
	v4 =	vld [tilespmem:s25+$0xFFFFFFF0]  }
0x2c: {  	v5 =	vld [tilespmem:s31+$0x0]  }
0x2d: {  	v6 =	vld [tilespmem:s31+$0x10]  }
0x2e: {  	v7 =	vld [tilespmem:s31+$0x20]  }
0x2f: {  	v8 =	vld [tilespmem:s31+$0x30]  }
0x30: {  	v9 =	vld [tilespmem:s31+$0xFFFFFFC0]  }
0x31: {  	s1 =	simm.s32 $0x40;
	v10 =	vld [tilespmem:s31+$0xFFFFFFD0]  }
0x32: {  	v11 =	vld [tilespmem:s1+$0x0]  }
0x33: {  	v12 =	vld [tilespmem:s1+$0x10]  }
0x34: {  	v13 =	vld [tilespmem:s1+$0x20]  }
0x35: {  	v14 =	vld [tilespmem:s1+$0x30]  }
0x36: {  	v15 =	vld [tilespmem:s31+$0xFFFFFFE0]  }
0x37: {  	v2 =	vimm.s32 $0x0;
	v16 =	vld [tilespmem:s1+$0xFFFFFFC0];
	v19 =	vmul.u32 $0x1010101, v4  }
0x38: {  	v18 =	vld [tilespmem:s1+$0xFFFFFFD0];
	v20 =	vmul.u32 $0x1010101, v3;
	v17 =	vand.u32 $0x1, v3;
	v21 =	vshrl.u32 v3, $0x8  }
0x39: {  	v24 =	vld [tilespmem:s1+$0xFFFFFFE0];
	v22 =	vshrl.u32 v3, $0x10;
	v3 =	vshrl.u32 v3, $0x18;
	v23 =	vand.u32 $0x1, v4  }
0x3a: {  	v25 =	vmax.f32 v11, $0.0e+00;
	v26 =	vmax.f32 v12, $0.0e+00;
	v27 =	vshrl.u32 v4, $0x8  }
0x3b: {  	v28 =	vmax.f32 v13, $0.0e+00;
	v29 =	vmax.f32 v14, $0.0e+00;
	v5 =	vmul.f32 v5, v11  }
0x3c: {  	v30 =	vshrl.u32 v4, $0x10;
	v6 =	vmul.f32 v6, v12;
	v31 =	vmul.f32 v7, v13  }
0x3d: {  	v4 =	vshrl.u32 v4, $0x18;
	v32 =	vmul.f32 v8, v14;
	v33 =	vmul.f32 v9, v16  }
0x3e: {  	v34 =	vmul.f32 v10, v18;
	v35 =	vmul.f32 v15, v24;
	v8 =	vand.u32 $0x7FFFFFFF, v11  }
0x3f: {  	v9 =	vand.u32 $0x7FFFFFFF, v12;
	v10 =	vand.u32 $0x7FFFFFFF, v13;
	v11 =	vand.u32 $0x7FFFFFFF, v14  }
0x40: {  	v12 =	vand.u32 $0x7FFFFFFF, v16;
	v13 =	vand.u32 $0x7FFFFFFF, v18;
	v14 =	vand.u32 $0x7FFFFFFF, v24  }
0x41: {  	v7 =	vld [tilespmem:s1+$0xFFFFFFF0];
	v36 =	vmax.f32 v16, $0.0e+00;
	v37 =	vmax.f32 v18, $0.0e+00;
	v8 =	vsub.f32 $0.0e+00, v8  }
0x42: {  	v24 =	vmax.f32 v24, $0.0e+00;
	v9 =	vsub.f32 $0.0e+00, v9;
	v10 =	vsub.f32 $0.0e+00, v10  }
0x43: {  	v11 =	vsub.f32 $0.0e+00, v11;
	v12 =	vsub.f32 $0.0e+00, v12;
	v8 =	vmul.f32 $1.442695020e+00, v8  }
0x44: {  	v18 =	vand.u32 $0x1, v3;
	v9 =	vmul.f32 $1.442695020e+00, v9;
	v10 =	vmul.f32 $1.442695020e+00, v10  }
0x45: {  	v16 =	vand.u32 $0x1, v30;
	v11 =	vmul.f32 $1.442695020e+00, v11;
	(erf) = vpow2.f32 v8  }
0x46: {  	v15 =	vand.u32 $0x7FFFFFFF, v7;
	v8 =	vsub.f32 $0.0e+00, v13;
	(erf) = vpow2.f32 v9  }
0x47: {  	v13 =	vld [tilespmem:s31+$0xFFFFFFF0];
	v9 =	vmul.f32 $1.442695020e+00, v12;
	v12 =	vsub.f32 $0.0e+00, v14;
	(erf) = vpow2.f32 v10  }
0x48: {  	v39 =	vmax.f32 v7, $0.0e+00;
	v8 =	vmul.f32 $1.442695020e+00, v8;
	(erf) = vpow2.f32 v11  }
0x49: {  	v10 =	vsub.f32 $0.0e+00, v15;
	v11 =	vmul.f32 $1.442695020e+00, v12;
	(erf) = vpow2.f32 v9  }
0x4a: {  	v14 =	vsub.f32 v28, v31;
	v12 =	vand.u32 $0x1, v22;
	(erf) = vpow2.f32 v8  }
0x4b: {  	v22 =	vsub.f32 v37, v34;
	v10 =	vmul.f32 $1.442695020e+00, v10;
	(erf) = vpow2.f32 v11  }
0x4c: {  	v9 =	vcvt.s32.f32 v17;
	v17 =	vand.u32 $0x1, v27;
	v38 =	vmul.f32 v13, v7  }
0x4d: {  	v13 =	vand.u32 $0x1, v4;
	v8 =	vshrl.u32 v19, $0x18;
	(erf) = vpow2.f32 v10  }
0x4e: {  	v7 =	vshrl.u32 v20, $0x18;
	v20 =	vsub.f32 v25, v5;
	v11 =	vand.u32 $0x1, v21;
	v3 =	vpop (erf)  }
0x4f: {  	v19 =	vsub.f32 v26, v6;
	v10 =	vcvt.s32.f32 v23;
	v15 =	vcvt.s32.f32 v11;
	v4 =	vpop (erf)  }
0x50: {  	v21 =	vsub.f32 v36, v33;
	v11 =	vcvt.s32.f32 v12;
	v25 =	vmul.f32 $1.058437750e-01, v3;
	v5 =	vpop (erf)  }
0x51: {  	v12 =	vsub.f32 v29, v32;
	v23 =	vsub.f32 v24, v35;
	v27 =	vmul.f32 $1.058437750e-01, v4;
	v6 =	vpop (erf)  }
0x52: {  	v24 =	vsub.f32 v39, v38;
	v29 =	vmul.f32 $1.058437750e-01, v5;
	v59 =	vadd.f32 $-3.941956160e-01, v25;
	v28 =	vpop (erf)  }
0x53: {  	v30 =	vmul.f32 $1.058437750e-01, v6;
	v27 =	vadd.f32 $-3.941956160e-01, v27;
	v57 =	vpop (erf);
	v31 =	vmul.f32 $1.058437750e-01, v28  }
0x54: {  	v29 =	vadd.f32 $-3.941956160e-01, v29;
	v33 =	vmul.f32 v59, v3;
	v58 =	vmul.f32 $1.058437750e-01, v57;
	v26 =	vpop (erf)  }
0x55: {  	v30 =	vadd.f32 $-3.941956160e-01, v30;
	v27 =	vmul.f32 v27, v4;
	v60 =	vmul.f32 $1.058437750e-01, v26  }
0x56: {  	v25 =	vpop (erf);
	v31 =	vadd.f32 $-3.941956160e-01, v31;
	v29 =	vmul.f32 v29, v5;
	v33 =	vadd.f32 $9.812560080e-01, v33  }
0x57: {  	v61 =	vmul.f32 $1.058437750e-01, v25;
	v32 =	vadd.f32 $-3.941956160e-01, v58;
	v30 =	vmul.f32 v30, v6  }
0x58: {  	v27 =	vadd.f32 $9.812560080e-01, v27;
	v34 =	vadd.f32 $-3.941956160e-01, v60;
	v31 =	vmul.f32 v31, v28  }
0x59: {  	v29 =	vadd.f32 $9.812560080e-01, v29;
	v3 =	vmul.f32 v33, v3;
	v36 =	vadd.f32 $-3.941956160e-01, v61  }
0x5a: {  	v32 =	vmul.f32 v32, v57;
	v30 =	vadd.f32 $9.812560080e-01, v30;
	v34 =	vmul.f32 v34, v26  }
0x5b: {  	v62 =	vadd.f32 $9.812560080e-01, v31;
	v33 =	vmul.f32 v29, v5;
	v5 =	vimm.f32 $0.0e+00  }
0x5c: {  	v63 =	vadd.f32 $9.812560080e-01, v32;
	v36 =	vmul.f32 v36, v25;
	v32 =	vmul.f32 v27, v4  }
0x5d: {  	v30 =	vmul.f32 v30, v6;
	v27 =	vadd.f32 $5.721672210e-04, v3;
	v3 =	vimm.f32 $0.0e+00  }
0x5e: {  	v6 =	vimm.f32 $0.0e+00;
	v4 =	vimm.f32 $0.0e+00;
	v31 =	vadd.f32 $9.812560080e-01, v34  }
0x5f: {  	s14 =	simm.s32 $0xC430;
	s0 =	simm.s32 $0x0;
	v34 =	vmul.f32 v62, v28;
	v29 =	vadd.f32 $9.812560080e-01, v36;
	v28 =	vmul.f32 v63, v57  }
.LBB2_3:
0x60: {  	v35 =	vld [tilespmem:s14+$0x0];
	v26 =	vmul.f32 v31, v26;
	v31 =	vadd.f32 $5.721672210e-04, v32;
	v32 =	vadd.f32 $5.721672210e-04, v33  }
0x61: {  	v25 =	vmul.f32 v29, v25;
	v29 =	vadd.f32 $5.721672210e-04, v30;
	s31 =	sadd.s32 $0x80, s31;
	v33 =	vld [tilespmem:s14+$0xFFFFFFF0];
	v34 =	vadd.f32 $5.721672210e-04, v34  }
0x62: {  	v18 =	vcvt.s32.f32 v18;
	v28 =	vadd.f32 $5.721672210e-04, v28;
	v30 =	vld [tilespmem:s31+$0x0];
	v26 =	vadd.f32 $5.721672210e-04, v26  }
0x63: {  	v17 =	vcvt.s32.f32 v17;
	v20 =	vadd.f32 v27, v20;
	v25 =	vadd.f32 $5.721672210e-04, v25;
	v36 =	vld [tilespmem:s31+$0x10]  }
0x64: {  	v16 =	vcvt.s32.f32 v16;
	v19 =	vadd.f32 v31, v19;
	v21 =	vadd.f32 v34, v21;
	v27 =	vld [tilespmem:s31+$0x20]  }
0x65: {  	v13 =	vcvt.s32.f32 v13;
	v22 =	vadd.f32 v28, v22;
	v23 =	vadd.f32 v26, v23;
	v31 =	vld [tilespmem:s31+$0x30]  }
0x66: {  	v9 =	vmul.f32 v9, v20;
	v24 =	vadd.f32 v25, v24;
	v15 =	vmul.f32 v15, v19;
	v26 =	vld [tilespmem:s31+$0xFFFFFFC0]  }
0x67: {  	s1 =	sadd.s32 $0x80, s1;
	v14 =	vadd.f32 v32, v14;
	v10 =	vmul.f32 v10, v21;
	v17 =	vmul.f32 v17, v22;
	v19 =	vld [tilespmem:s31+$0xFFFFFFD0]  }
0x68: {  	v12 =	vadd.f32 v29, v12;
	v16 =	vmul.f32 v16, v23;
	v13 =	vmul.f32 v13, v24;
	v20 =	vld [tilespmem:s1+$0x0]  }
0x69: {  	v3 =	vadd.f32 v10, v3;
	v6 =	vadd.f32 v17, v6;
	v10 =	vmul.f32 v11, v14;
	v21 =	vld [tilespmem:s1+$0x10]  }
0x6a: {  	v12 =	vmul.f32 v18, v12;
	v4 =	vadd.f32 v16, v4;
	v5 =	vadd.f32 v13, v5;
	v11 =	vld [tilespmem:s1+$0x20]  }
0x6b: {  	v2 =	vadd.s32 v2, v8;
	v3 =	vadd.f32 v9, v3;
	v6 =	vadd.f32 v15, v6;
	v13 =	vld [tilespmem:s1+$0x30]  }
0x6c: {  	v2 =	vadd.s32 v7, v2;
	v4 =	vadd.f32 v10, v4;
	v5 =	vadd.f32 v12, v5;
	v8 =	vld [tilespmem:s31+$0xFFFFFFE0]  }
0x6d: {  	v7 =	vmul.u32 $0x1010101, v33;
	v12 =	vmul.u32 $0x1010101, v35;
	v10 =	vand.u32 $0x1, v35;
	v9 =	vld [tilespmem:s1+$0xFFFFFFC0]  }
0x6e: {  	v17 =	vshrl.u32 v35, $0x18;
	v16 =	vshrl.u32 v35, $0x10;
	v15 =	vshrl.u32 v35, $0x8;
	v14 =	vld [tilespmem:s1+$0xFFFFFFD0]  }
0x6f: {  	v18 =	vand.u32 $0x1, v33;
	v23 =	vmax.f32 v20, $0.0e+00;
	v24 =	vmax.f32 v21, $0.0e+00;
	v22 =	vld [tilespmem:s1+$0xFFFFFFE0]  }
0x70: {  	v25 =	vshrl.u32 v33, $0x8;
	v28 =	vmax.f32 v11, $0.0e+00;
	v29 =	vmax.f32 v13, $0.0e+00  }
0x71: {  	v32 =	vshrl.u32 v33, $0x10;
	v30 =	vmul.f32 v30, v20;
	v34 =	vmul.f32 v36, v21  }
0x72: {  	v33 =	vshrl.u32 v33, $0x18;
	v27 =	vmul.f32 v27, v11;
	v31 =	vmul.f32 v31, v13  }
0x73: {  	v35 =	vmax.f32 v9, $0.0e+00;
	v26 =	vmul.f32 v26, v9;
	v36 =	vmul.f32 v19, v14;
	v19 =	vld [tilespmem:s1+$0xFFFFFFF0]  }
0x74: {  	v37 =	vmul.f32 v8, v22;
	v8 =	vand.u32 $0x7FFFFFFF, v20;
	v20 =	vand.u32 $0x7FFFFFFF, v21  }
0x75: {  	v11 =	vand.u32 $0x7FFFFFFF, v11;
	v13 =	vand.u32 $0x7FFFFFFF, v13;
	v8 =	vsub.f32 $0.0e+00, v8  }
0x76: {  	v9 =	vand.u32 $0x7FFFFFFF, v9;
	v21 =	vand.u32 $0x7FFFFFFF, v14;
	v20 =	vsub.f32 $0.0e+00, v20  }
0x77: {  	v11 =	vsub.f32 $0.0e+00, v11;
	v38 =	vand.u32 $0x7FFFFFFF, v22;
	v8 =	vmul.f32 $1.442695020e+00, v8  }
0x78: {  	v13 =	vsub.f32 $0.0e+00, v13;
	v20 =	vmul.f32 $1.442695020e+00, v20;
	v39 =	vand.u32 $0x7FFFFFFF, v19  }
0x79: {  	v11 =	vmul.f32 $1.442695020e+00, v11;
	v9 =	vsub.f32 $0.0e+00, v9;
	(erf) = vpow2.f32 v8  }
0x7a: {  	s0 =	sadd.s32 $0x2, s0;
	v13 =	vmul.f32 $1.442695020e+00, v13;
	v8 =	vsub.f32 $0.0e+00, v21;
	v21 =	vld [tilespmem:s31+$0xFFFFFFF0];
	(erf) = vpow2.f32 v20  }
0x7b: {  	p0 =	slt.u32 s0, $0x186;
	v9 =	vmul.f32 $1.442695020e+00, v9;
	v20 =	vsub.f32 $0.0e+00, v38;
	(erf) = vpow2.f32 v11  }
0x7c: {  	v8 =	vmul.f32 $1.442695020e+00, v8;
	v11 =	vsub.f32 $0.0e+00, v39;
	(erf) = vpow2.f32 v13  }
0x7d: {  	v38 =	vmax.f32 v14, $0.0e+00;
	v13 =	vmul.f32 $1.442695020e+00, v20;
	(erf) = vpow2.f32 v9  }
0x7e: {  	v39 =	vmax.f32 v22, $0.0e+00;
	v11 =	vmul.f32 $1.442695020e+00, v11;
	(erf) = vpow2.f32 v8  }
0x7f: {  	v40 =	vmax.f32 v19, $0.0e+00;
	v41 =	vmul.f32 v21, v19;
	(erf) = vpow2.f32 v13  }
0x80: {  	v14 =	vand.u32 $0x1, v15;
	v9 =	vcvt.s32.f32 v10;
	(erf) = vpow2.f32 v11  }
0x81: {  	v10 =	vcvt.s32.f32 v18;
	v18 =	vand.u32 $0x1, v17;
	v11 =	vand.u32 $0x1, v16  }
0x82: {  	v17 =	vand.u32 $0x1, v25;
	v13 =	vand.u32 $0x1, v33;
	v16 =	vand.u32 $0x1, v32;
	v32 =	vpop (erf)  }
0x83: {  	v20 =	vsub.f32 v23, v30;
	v8 =	vshrl.u32 v7, $0x18;
	v7 =	vshrl.u32 v12, $0x18;
	v30 =	vpop (erf)  }
0x84: {  	v15 =	vcvt.s32.f32 v14;
	v14 =	vsub.f32 v28, v27;
	v19 =	vsub.f32 v24, v34;
	v27 =	vpop (erf)  }
0x85: {  	v12 =	vsub.f32 v29, v31;
	v21 =	vsub.f32 v35, v26;
	v11 =	vcvt.s32.f32 v11;
	v28 =	vpop (erf)  }
0x86: {  	v22 =	vsub.f32 v38, v36;
	v42 =	vmul.f32 $1.058437750e-01, v32;
	v29 =	vmul.f32 $1.058437750e-01, v30;
	v34 =	vpop (erf)  }
0x87: {  	v23 =	vsub.f32 v39, v37;
	v31 =	vmul.f32 $1.058437750e-01, v27;
	v33 =	vmul.f32 $1.058437750e-01, v28;
	v35 =	vpop (erf)  }
0x88: {  	v24 =	vsub.f32 v40, v41;
	v36 =	vmul.f32 $1.058437750e-01, v34;
	v37 =	vmul.f32 $1.058437750e-01, v35;
	v26 =	vpop (erf)  }
0x89: {  	v39 =	vadd.f32 $-3.941956160e-01, v42;
	v29 =	vadd.f32 $-3.941956160e-01, v29;
	v38 =	vmul.f32 $1.058437750e-01, v26;
	v25 =	vpop (erf)  }
0x8a: {  	v31 =	vadd.f32 $-3.941956160e-01, v31;
	v33 =	vadd.f32 $-3.941956160e-01, v33;
	v40 =	vmul.f32 $1.058437750e-01, v25  }
0x8b: {  	v39 =	vmul.f32 v39, v32;
	v36 =	vadd.f32 $-3.941956160e-01, v36;
	v37 =	vadd.f32 $-3.941956160e-01, v37  }
0x8c: {  	v29 =	vmul.f32 v29, v30;
	v31 =	vmul.f32 v31, v27;
	v38 =	vadd.f32 $-3.941956160e-01, v38  }
0x8d: {  	v33 =	vmul.f32 v33, v28;
	v36 =	vmul.f32 v36, v34;
	v40 =	vadd.f32 $-3.941956160e-01, v40  }
0x8e: {  	v39 =	vadd.f32 $9.812560080e-01, v39;
	v29 =	vadd.f32 $9.812560080e-01, v29;
	v37 =	vmul.f32 v37, v35  }
.Ltmp0:
0x8f: {  	v41 =	vadd.f32 $9.812560080e-01, v31;
	v42 =	vadd.f32 $9.812560080e-01, v33;
	v38 =	vmul.f32 v38, v26;
	(pc) =	sbr.rel @p0 .LBB2_3-.Ltmp0, $4  }
0x90: {  	v36 =	vadd.f32 $9.812560080e-01, v36;
	v37 =	vadd.f32 $9.812560080e-01, v37;
	v33 =	vmul.f32 v40, v25  }
0x91: {  	v31 =	vadd.f32 $9.812560080e-01, v38;
	v38 =	vmul.f32 v39, v32;
	v32 =	vmul.f32 v29, v30  }
0x92: {  	v30 =	vmul.f32 v42, v28;
	v29 =	vadd.f32 $9.812560080e-01, v33;
	v33 =	vmul.f32 v41, v27  }
0x93: {  	s14 =	sadd.s32 $0x20, s14;
	v34 =	vmul.f32 v36, v34;
	v28 =	vmul.f32 v37, v35;
	v27 =	vadd.f32 $5.721672210e-04, v38  }
0x94: {  	p0 =	seq.s32 s29, $0xB  }
0x95: {  	s0 =	sadd.s32 @!p0 $0x2, s30  }
0x96: {  	s1 =	sadd.s32 @!p0 s3, s0  }
0x97: {  	s1 =	sshrl.u32 @!p0 s1, $0x3  }
0x98: {  	s0 =	sshll.u32 @!p0 s0, $0x7;
	s14 =	smul.u32 @!p0 $0x31000, s1  }
0x99: {  	s0 =	sand.u32 @!p0 $0x300, s0  }
0x9a: {  	s1 =	smul.u32 @!p0 $0xC400, s1;
	s14 =	sor.u32 @!p0 s0, s14  }
0x9b: {  	s31 =	simm.s32 @!p0 $0x80;
	s15 =	simm.s32 @!p0 $0x400;
	s14 =	sshrl.u32 @!p0 s14, $0x3  }
0x9c: {  	s25 =	simm.s32 @!p0 $0x0;
	s0 =	sor.u32 @!p0 s0, s1;
	s30 =	sadd.s32 @!p0 s4, s14  }
0x9d: {  	[tilespmem:s25], [sflag:$0x1] =	stream.strided.gather @!p0 [hbm4b:s30+s31], $0x6200, s15, s31, $0x38;
	[tilespmem:$0x1B980] =	vst v63  }
0x9e: {  	s0 =	sshrl.u32 @!p0 s0, $0x3;
	s14 =	sadd.s32 @!p0 s5, s14;
	s25 =	simm.s32 @!p0 $0x6200  }
0x9f: {  	[tilespmem:s25], [sflag:$0x2] =	stream.strided.gather @!p0 [hbm4b:s14+s31], $0x6200, s15, s31, $0x38;
	[tilespmem:$0x1B980] =	vst v63  }
0xa0: {  	s1 =	simm.s32 @!p0 $0xC400;
	s0 =	sadd.s32 @!p0 s6, s0  }
0xa1: {  	[tilespmem:s1], [sflag:$0x3] =	stream.strided.gather @!p0 [hbm4b:s0+s31], $0x1880, s15, s31, $0x38;
	[tilespmem:$0x1B980] =	vst v63  }
0xa2: {  	_ =	swait.ge [sflag:s22], $0x6200  }
0xa3: {  	[sflag:s22] =	ssyncset.done $0x0  }
0xa4: {  	[sflag:s22] =	ssyncadd.s32 $0xFFFF9E00  }
0xa5: {  	_ =	swait.ge [sflag:s23], $0x6200  }
0xa6: {  	[sflag:s23] =	ssyncset.done $0x0  }
0xa7: {  	[sflag:s23] =	ssyncadd.s32 $0xFFFF9E00  }
0xa8: {  	_ =	swait.ge [sflag:s24], $0x1880  }
0xa9: {  	[sflag:s24] =	ssyncset.done $0x0  }
0xaa: {  	s25 =	simm.s32 $0x1A090;
	[sflag:s24] =	ssyncadd.s32 $0xFFFFE780  }
0xab: {  	v26 =	vmul.f32 v31, v26;
	v31 =	vadd.f32 $5.721672210e-04, v32;
	v46 =	vadd.f32 $5.721672210e-04, v33;
	v47 =	vld [tilespmem:s25+$0x0]  }
0xac: {  	v25 =	vmul.f32 v29, v25;
	v29 =	vadd.f32 $5.721672210e-04, v30;
	v34 =	vadd.f32 $5.721672210e-04, v34;
	s30 =	simm.s32 $0x13EC0;
	v30 =	vld [tilespmem:s25+$0xFFFFFFF0]  }
0xad: {  	v18 =	vcvt.s32.f32 v18;
	v28 =	vadd.f32 $5.721672210e-04, v28;
	v20 =	vadd.f32 v27, v20;
	v35 =	vld [tilespmem:s30+$0x0]  }
0xae: {  	v17 =	vcvt.s32.f32 v17;
	v26 =	vadd.f32 $5.721672210e-04, v26;
	v25 =	vadd.f32 $5.721672210e-04, v25;
	v27 =	vld [tilespmem:s30+$0x10]  }
0xaf: {  	v16 =	vcvt.s32.f32 v16;
	v19 =	vadd.f32 v31, v19;
	v21 =	vadd.f32 v34, v21;
	v31 =	vld [tilespmem:s30+$0x20]  }
0xb0: {  	v13 =	vcvt.s32.f32 v13;
	v22 =	vadd.f32 v28, v22;
	v23 =	vadd.f32 v26, v23;
	v26 =	vld [tilespmem:s30+$0x30]  }
0xb1: {  	v9 =	vmul.f32 v9, v20;
	v24 =	vadd.f32 v25, v24;
	v15 =	vmul.f32 v15, v19;
	v19 =	vld [tilespmem:s30+$0xFFFFFFC0]  }
0xb2: {  	v14 =	vadd.f32 v46, v14;
	v10 =	vmul.f32 v10, v21;
	v17 =	vmul.f32 v17, v22;
	s31 =	simm.s32 $0xDCC0;
	v20 =	vld [tilespmem:s30+$0xFFFFFFD0]  }
0xb3: {  	v12 =	vadd.f32 v29, v12;
	v16 =	vmul.f32 v16, v23;
	v13 =	vmul.f32 v13, v24;
	v21 =	vld [tilespmem:s31+$0x0]  }
0xb4: {  	v3 =	vadd.f32 v10, v3;
	v6 =	vadd.f32 v17, v6;
	v10 =	vmul.f32 v11, v14;
	v11 =	vld [tilespmem:s31+$0x10]  }
0xb5: {  	v12 =	vmul.f32 v18, v12;
	v4 =	vadd.f32 v16, v4;
	v5 =	vadd.f32 v13, v5;
	v13 =	vld [tilespmem:s31+$0x20]  }
0xb6: {  	v8 =	vadd.s32 v2, v8;
	v2 =	vadd.f32 v9, v3;
	v3 =	vadd.f32 v15, v6;
	v9 =	vld [tilespmem:s31+$0x30]  }
0xb7: {  	v6 =	vadd.s32 v7, v8;
	v4 =	vadd.f32 v10, v4;
	v5 =	vadd.f32 v12, v5;
	v7 =	vld [tilespmem:s30+$0xFFFFFFE0]  }
0xb8: {  	v8 =	vld [tilespmem:s31+$0xFFFFFFC0];
	v10 =	vmul.u32 $0x1010101, v30;
	v14 =	vmul.u32 $0x1010101, v47;
	v12 =	vand.u32 $0x1, v47  }
0xb9: {  	v15 =	vld [tilespmem:s31+$0xFFFFFFD0];
	v16 =	vshrl.u32 v47, $0x8;
	v17 =	vshrl.u32 v47, $0x10;
	v18 =	vshrl.u32 v47, $0x18  }
0xba: {  	v23 =	vld [tilespmem:s31+$0xFFFFFFE0];
	v22 =	vand.u32 $0x1, v30;
	v24 =	vmax.f32 v21, $0.0e+00;
	v25 =	vmax.f32 v11, $0.0e+00  }
0xbb: {  	v28 =	vshrl.u32 v30, $0x8;
	v29 =	vmax.f32 v13, $0.0e+00;
	v48 =	vmax.f32 v9, $0.0e+00  }
0xbc: {  	v49 =	vshrl.u32 v30, $0x10;
	v50 =	vmul.f32 v35, v21;
	v27 =	vmul.f32 v27, v11  }
0xbd: {  	v30 =	vshrl.u32 v30, $0x18;
	v31 =	vmul.f32 v31, v13;
	v26 =	vmul.f32 v26, v9  }
0xbe: {  	v51 =	vmax.f32 v8, $0.0e+00;
	v36 =	vmul.f32 v19, v8;
	v37 =	vmul.f32 v20, v15  }
0xbf: {  	v38 =	vmul.f32 v7, v23;
	v7 =	vand.u32 $0x7FFFFFFF, v21;
	v11 =	vand.u32 $0x7FFFFFFF, v11  }
0xc0: {  	v13 =	vand.u32 $0x7FFFFFFF, v13;
	v9 =	vand.u32 $0x7FFFFFFF, v9;
	v8 =	vand.u32 $0x7FFFFFFF, v8  }
0xc1: {  	v19 =	vld [tilespmem:s31+$0xFFFFFFF0];
	v20 =	vand.u32 $0x7FFFFFFF, v15;
	v21 =	vand.u32 $0x7FFFFFFF, v23;
	v7 =	vsub.f32 $0.0e+00, v7  }
0xc2: {  	v52 =	vmax.f32 v15, $0.0e+00;
	v11 =	vsub.f32 $0.0e+00, v11;
	v13 =	vsub.f32 $0.0e+00, v13  }
0xc3: {  	v23 =	vmax.f32 v23, $0.0e+00;
	v9 =	vsub.f32 $0.0e+00, v9;
	v8 =	vsub.f32 $0.0e+00, v8  }
0xc4: {  	v18 =	vand.u32 $0x1, v18;
	v7 =	vmul.f32 $1.442695020e+00, v7;
	v11 =	vmul.f32 $1.442695020e+00, v11  }
0xc5: {  	v23 =	vsub.f32 v23, v38;
	v13 =	vmul.f32 $1.442695020e+00, v13;
	v9 =	vmul.f32 $1.442695020e+00, v9  }
0xc6: {  	v8 =	vmul.f32 $1.442695020e+00, v8;
	v39 =	vand.u32 $0x7FFFFFFF, v19;
	(erf) = vpow2.f32 v7  }
0xc7: {  	v7 =	vsub.f32 $0.0e+00, v20;
	v20 =	vld [tilespmem:s30+$0xFFFFFFF0];
	v40 =	vmax.f32 v19, $0.0e+00;
	(erf) = vpow2.f32 v11  }
0xc8: {  	v11 =	vsub.f32 $0.0e+00, v21;
	v21 =	vsub.f32 v51, v36;
	(erf) = vpow2.f32 v13  }
0xc9: {  	v7 =	vmul.f32 $1.442695020e+00, v7;
	v13 =	vsub.f32 $0.0e+00, v39;
	(erf) = vpow2.f32 v9  }
0xca: {  	v9 =	vmul.f32 $1.442695020e+00, v11;
	v11 =	vshrl.u32 v10, $0x18;
	(erf) = vpow2.f32 v8  }
0xcb: {  	v10 =	vshrl.u32 v14, $0x18;
	v8 =	vmul.f32 $1.442695020e+00, v13;
	(erf) = vpow2.f32 v7  }
0xcc: {  	v14 =	vsub.f32 v48, v26;
	v41 =	vmul.f32 v20, v19;
	(erf) = vpow2.f32 v9  }
0xcd: {  	v13 =	vsub.f32 v29, v31;
	v7 =	vcvt.s32.f32 v12;
	(erf) = vpow2.f32 v8  }
0xce: {  	v12 =	vand.u32 $0x1, v30;
	v20 =	vsub.f32 v24, v50;
	v19 =	vsub.f32 v25, v27  }
0xcf: {  	v8 =	vcvt.s32.f32 v22;
	v22 =	vand.u32 $0x1, v17;
	v17 =	vand.u32 $0x1, v28;
	v28 =	vpop (erf)  }
0xd0: {  	v9 =	vand.u32 $0x1, v16;
	v16 =	vand.u32 $0x1, v49;
	v53 =	vpop (erf);
	v25 =	vmul.f32 $1.058437750e-01, v28  }
0xd1: {  	v15 =	vcvt.s32.f32 v9;
	v24 =	vsub.f32 v40, v41;
	v27 =	vpop (erf);
	v30 =	vmul.f32 $1.058437750e-01, v53  }
0xd2: {  	v9 =	vcvt.s32.f32 v22;
	v29 =	vpop (erf);
	v54 =	vmul.f32 $1.058437750e-01, v27;
	v60 =	vadd.f32 $-3.941956160e-01, v25  }
0xd3: {  	v22 =	vsub.f32 v52, v37;
	v31 =	vpop (erf);
	v55 =	vmul.f32 $1.058437750e-01, v29;
	v30 =	vadd.f32 $-3.941956160e-01, v30  }
0xd4: {  	v56 =	vpop (erf);
	v57 =	vmul.f32 $1.058437750e-01, v31;
	v32 =	vadd.f32 $-3.941956160e-01, v54;
	v39 =	vmul.f32 v60, v28  }
0xd5: {  	v58 =	vmul.f32 $1.058437750e-01, v56;
	v26 =	vpop (erf);
	v34 =	vadd.f32 $-3.941956160e-01, v55;
	v30 =	vmul.f32 v30, v53  }
0xd6: {  	v59 =	vmul.f32 $1.058437750e-01, v26;
	v25 =	vpop (erf);
	v36 =	vadd.f32 $-3.941956160e-01, v57;
	v32 =	vmul.f32 v32, v27  }
0xd7: {  	v39 =	vadd.f32 $9.812560080e-01, v39;
	v61 =	vmul.f32 $1.058437750e-01, v25;
	v37 =	vadd.f32 $-3.941956160e-01, v58  }
0xd8: {  	v34 =	vmul.f32 v34, v29;
	v62 =	vadd.f32 $9.812560080e-01, v30;
	v38 =	vadd.f32 $-3.941956160e-01, v59  }
0xd9: {  	v36 =	vmul.f32 v36, v31;
	v63 =	vadd.f32 $9.812560080e-01, v32;
	v39 =	vmul.f32 v39, v28  }
0xda: {  	v40 =	vadd.f32 $-3.941956160e-01, v61;
	v37 =	vmul.f32 v37, v56;
	v34 =	vadd.f32 $9.812560080e-01, v34  }
0xdb: {  	v32 =	vmul.f32 v62, v53;
	v30 =	vmul.f32 v38, v26;
	v36 =	vadd.f32 $9.812560080e-01, v36  }
0xdc: {  	v33 =	vmul.f32 v63, v27;
	v37 =	vadd.f32 $9.812560080e-01, v37;
	v40 =	vmul.f32 v40, v25  }
0xdd: {  	v27 =	vadd.f32 $5.721672210e-04, v39;
	v29 =	vmul.f32 v34, v29;
	v30 =	vadd.f32 $9.812560080e-01, v30  }
0xde: {  	s14 =	simm.s32 $0x1A0B0;
	s1 =	sadd.s32 $0x1, s29;
	s0 =	simm.s32 $0x0;
	v34 =	vmul.f32 v36, v31;
	v28 =	vadd.f32 $9.812560080e-01, v40;
	v31 =	vmul.f32 v37, v56  }
.LBB2_5:
0xdf: {  	v35 =	vld [tilespmem:s14+$0x0];
	v26 =	vmul.f32 v30, v26;
	v30 =	vadd.f32 $5.721672210e-04, v32;
	v32 =	vadd.f32 $5.721672210e-04, v33  }
0xe0: {  	v25 =	vmul.f32 v28, v25;
	v28 =	vadd.f32 $5.721672210e-04, v29;
	s30 =	sadd.s32 $0x80, s30;
	v33 =	vld [tilespmem:s14+$0xFFFFFFF0];
	v34 =	vadd.f32 $5.721672210e-04, v34  }
0xe1: {  	v18 =	vcvt.s32.f32 v18;
	v31 =	vadd.f32 $5.721672210e-04, v31;
	v29 =	vld [tilespmem:s30+$0x0];
	v26 =	vadd.f32 $5.721672210e-04, v26  }
0xe2: {  	v17 =	vcvt.s32.f32 v17;
	v20 =	vadd.f32 v27, v20;
	v25 =	vadd.f32 $5.721672210e-04, v25;
	v36 =	vld [tilespmem:s30+$0x10]  }
0xe3: {  	v16 =	vcvt.s32.f32 v16;
	v19 =	vadd.f32 v30, v19;
	v21 =	vadd.f32 v34, v21;
	v27 =	vld [tilespmem:s30+$0x20]  }
0xe4: {  	v12 =	vcvt.s32.f32 v12;
	v22 =	vadd.f32 v31, v22;
	v23 =	vadd.f32 v26, v23;
	v30 =	vld [tilespmem:s30+$0x30]  }
0xe5: {  	v7 =	vmul.f32 v7, v20;
	v24 =	vadd.f32 v25, v24;
	v15 =	vmul.f32 v15, v19;
	v26 =	vld [tilespmem:s30+$0xFFFFFFC0]  }
0xe6: {  	s31 =	sadd.s32 $0x80, s31;
	v13 =	vadd.f32 v32, v13;
	v8 =	vmul.f32 v8, v21;
	v17 =	vmul.f32 v17, v22;
	v19 =	vld [tilespmem:s30+$0xFFFFFFD0]  }
0xe7: {  	v14 =	vadd.f32 v28, v14;
	v16 =	vmul.f32 v16, v23;
	v12 =	vmul.f32 v12, v24;
	v20 =	vld [tilespmem:s31+$0x0]  }
0xe8: {  	v2 =	vadd.f32 v8, v2;
	v3 =	vadd.f32 v17, v3;
	v8 =	vmul.f32 v9, v13;
	v21 =	vld [tilespmem:s31+$0x10]  }
0xe9: {  	v4 =	vadd.f32 v16, v4;
	v5 =	vadd.f32 v12, v5;
	v12 =	vmul.f32 v18, v14;
	v9 =	vld [tilespmem:s31+$0x20]  }
0xea: {  	v6 =	vadd.s32 v6, v11;
	v2 =	vadd.f32 v7, v2;
	v3 =	vadd.f32 v15, v3;
	v13 =	vld [tilespmem:s31+$0x30]  }
0xeb: {  	v6 =	vadd.s32 v10, v6;
	v4 =	vadd.f32 v8, v4;
	v5 =	vadd.f32 v12, v5;
	v7 =	vld [tilespmem:s30+$0xFFFFFFE0]  }
0xec: {  	v11 =	vand.u32 $0x1, v35;
	v10 =	vmul.u32 $0x1010101, v33;
	v14 =	vmul.u32 $0x1010101, v35;
	v8 =	vld [tilespmem:s31+$0xFFFFFFC0]  }
0xed: {  	v17 =	vshrl.u32 v35, $0x18;
	v16 =	vshrl.u32 v35, $0x10;
	v15 =	vshrl.u32 v35, $0x8;
	v12 =	vld [tilespmem:s31+$0xFFFFFFD0]  }
0xee: {  	v18 =	vand.u32 $0x1, v33;
	v23 =	vmax.f32 v20, $0.0e+00;
	v24 =	vmax.f32 v21, $0.0e+00;
	v22 =	vld [tilespmem:s31+$0xFFFFFFE0]  }
0xef: {  	v25 =	vshrl.u32 v33, $0x8;
	v28 =	vmax.f32 v9, $0.0e+00;
	v31 =	vmax.f32 v13, $0.0e+00  }
0xf0: {  	v32 =	vshrl.u32 v33, $0x10;
	v29 =	vmul.f32 v29, v20;
	v34 =	vmul.f32 v36, v21  }
0xf1: {  	v33 =	vshrl.u32 v33, $0x18;
	v27 =	vmul.f32 v27, v9;
	v30 =	vmul.f32 v30, v13  }
0xf2: {  	v35 =	vmax.f32 v8, $0.0e+00;
	v26 =	vmul.f32 v26, v8;
	v36 =	vmul.f32 v19, v12;
	v19 =	vld [tilespmem:s31+$0xFFFFFFF0]  }
0xf3: {  	v37 =	vmul.f32 v7, v22;
	v7 =	vand.u32 $0x7FFFFFFF, v20;
	v20 =	vand.u32 $0x7FFFFFFF, v21  }
0xf4: {  	v9 =	vand.u32 $0x7FFFFFFF, v9;
	v13 =	vand.u32 $0x7FFFFFFF, v13;
	v7 =	vsub.f32 $0.0e+00, v7  }
0xf5: {  	v8 =	vand.u32 $0x7FFFFFFF, v8;
	v21 =	vand.u32 $0x7FFFFFFF, v12;
	v20 =	vsub.f32 $0.0e+00, v20  }
0xf6: {  	v9 =	vsub.f32 $0.0e+00, v9;
	v38 =	vand.u32 $0x7FFFFFFF, v22;
	v7 =	vmul.f32 $1.442695020e+00, v7  }
0xf7: {  	v13 =	vsub.f32 $0.0e+00, v13;
	v20 =	vmul.f32 $1.442695020e+00, v20;
	v39 =	vand.u32 $0x7FFFFFFF, v19  }
0xf8: {  	v9 =	vmul.f32 $1.442695020e+00, v9;
	v8 =	vsub.f32 $0.0e+00, v8;
	(erf) = vpow2.f32 v7  }
0xf9: {  	s0 =	sadd.s32 $0x2, s0;
	v13 =	vmul.f32 $1.442695020e+00, v13;
	v7 =	vsub.f32 $0.0e+00, v21;
	v21 =	vld [tilespmem:s30+$0xFFFFFFF0];
	(erf) = vpow2.f32 v20  }
0xfa: {  	p0 =	slt.u32 s0, $0x186;
	v8 =	vmul.f32 $1.442695020e+00, v8;
	v20 =	vsub.f32 $0.0e+00, v38;
	(erf) = vpow2.f32 v9  }
0xfb: {  	v7 =	vmul.f32 $1.442695020e+00, v7;
	v9 =	vsub.f32 $0.0e+00, v39;
	(erf) = vpow2.f32 v13  }
0xfc: {  	v38 =	vmax.f32 v12, $0.0e+00;
	v12 =	vmul.f32 $1.442695020e+00, v20;
	(erf) = vpow2.f32 v8  }
0xfd: {  	v39 =	vmax.f32 v22, $0.0e+00;
	v8 =	vmul.f32 $1.442695020e+00, v9;
	(erf) = vpow2.f32 v7  }
0xfe: {  	v40 =	vmax.f32 v19, $0.0e+00;
	v41 =	vmul.f32 v21, v19;
	(erf) = vpow2.f32 v12  }
0xff: {  	v9 =	vand.u32 $0x1, v15;
	v7 =	vcvt.s32.f32 v11;
	(erf) = vpow2.f32 v8  }
0x100: {  	v22 =	vand.u32 $0x1, v16;
	v8 =	vcvt.s32.f32 v18;
	v18 =	vand.u32 $0x1, v17  }
0x101: {  	v16 =	vand.u32 $0x1, v32;
	v12 =	vand.u32 $0x1, v33;
	v17 =	vand.u32 $0x1, v25;
	v32 =	vpop (erf)  }
0x102: {  	v20 =	vsub.f32 v23, v29;
	v11 =	vshrl.u32 v10, $0x18;
	v10 =	vshrl.u32 v14, $0x18;
	v29 =	vpop (erf)  }
0x103: {  	v13 =	vsub.f32 v28, v27;
	v15 =	vcvt.s32.f32 v9;
	v19 =	vsub.f32 v24, v34;
	v27 =	vpop (erf)  }
0x104: {  	v9 =	vcvt.s32.f32 v22;
	v14 =	vsub.f32 v31, v30;
	v21 =	vsub.f32 v35, v26;
	v31 =	vpop (erf)  }
0x105: {  	v22 =	vsub.f32 v38, v36;
	v42 =	vmul.f32 $1.058437750e-01, v32;
	v28 =	vmul.f32 $1.058437750e-01, v29;
	v34 =	vpop (erf)  }
0x106: {  	v23 =	vsub.f32 v39, v37;
	v30 =	vmul.f32 $1.058437750e-01, v27;
	v33 =	vmul.f32 $1.058437750e-01, v31;
	v35 =	vpop (erf)  }
0x107: {  	v24 =	vsub.f32 v40, v41;
	v36 =	vmul.f32 $1.058437750e-01, v34;
	v37 =	vmul.f32 $1.058437750e-01, v35;
	v26 =	vpop (erf)  }
0x108: {  	v39 =	vadd.f32 $-3.941956160e-01, v42;
	v28 =	vadd.f32 $-3.941956160e-01, v28;
	v38 =	vmul.f32 $1.058437750e-01, v26;
	v25 =	vpop (erf)  }
0x109: {  	v30 =	vadd.f32 $-3.941956160e-01, v30;
	v33 =	vadd.f32 $-3.941956160e-01, v33;
	v40 =	vmul.f32 $1.058437750e-01, v25  }
0x10a: {  	v39 =	vmul.f32 v39, v32;
	v36 =	vadd.f32 $-3.941956160e-01, v36;
	v37 =	vadd.f32 $-3.941956160e-01, v37  }
0x10b: {  	v28 =	vmul.f32 v28, v29;
	v30 =	vmul.f32 v30, v27;
	v38 =	vadd.f32 $-3.941956160e-01, v38  }
0x10c: {  	v33 =	vmul.f32 v33, v31;
	v36 =	vmul.f32 v36, v34;
	v40 =	vadd.f32 $-3.941956160e-01, v40  }
0x10d: {  	v39 =	vadd.f32 $9.812560080e-01, v39;
	v28 =	vadd.f32 $9.812560080e-01, v28;
	v37 =	vmul.f32 v37, v35  }
.Ltmp1:
0x10e: {  	v41 =	vadd.f32 $9.812560080e-01, v30;
	v42 =	vadd.f32 $9.812560080e-01, v33;
	v38 =	vmul.f32 v38, v26;
	(pc) =	sbr.rel @p0 .LBB2_5-.Ltmp1, $4  }
0x10f: {  	v36 =	vadd.f32 $9.812560080e-01, v36;
	v37 =	vadd.f32 $9.812560080e-01, v37;
	v33 =	vmul.f32 v40, v25  }
0x110: {  	v30 =	vadd.f32 $9.812560080e-01, v38;
	v38 =	vmul.f32 v39, v32;
	v32 =	vmul.f32 v28, v29  }
0x111: {  	v29 =	vmul.f32 v42, v31;
	v28 =	vadd.f32 $9.812560080e-01, v33;
	v33 =	vmul.f32 v41, v27  }
0x112: {  	s14 =	sadd.s32 $0x20, s14;
	v34 =	vmul.f32 v36, v34;
	v31 =	vmul.f32 v37, v35;
	v27 =	vadd.f32 $5.721672210e-04, v38  }
0x113: {  	v6 =	vadd.s32 v6, v11  }
0x114: {  	v6 =	vadd.s32 v10, v6  }
0x115: {  	(xrf0) =	vadd.scan.msk.s32 $0xffff, v6;
	_ =	sdelay $0x5  }
0x116: {  	v6, _, _ =	vpop (xrf0)  }
0x117: {  	(v2sf) =	vpush v6, $0xF  }
0x118: {  	v52 =	vmul.f32 v30, v26;
	v53 =	vadd.f32 $5.721672210e-04, v32;
	v54 =	vadd.f32 $5.721672210e-04, v33  }
0x119: {  	v25 =	vmul.f32 v28, v25;
	v56 =	vadd.f32 $5.721672210e-04, v29;
	v18 =	vcvt.s32.f32 v18  }
0x11a: {  	v17 =	vcvt.s32.f32 v17;
	v55 =	vadd.f32 $5.721672210e-04, v34;
	v57 =	vadd.f32 $5.721672210e-04, v31  }
0x11b: {  	v16 =	vcvt.s32.f32 v16;
	v20 =	vadd.f32 v27, v20;
	v25 =	vadd.f32 $5.721672210e-04, v25  }
0x11c: {  	v12 =	vcvt.s32.f32 v12;
	v10 =	vadd.f32 v53, v19;
	v6 =	vadd.f32 $5.721672210e-04, v52  }
0x11d: {  	v21 =	vadd.f32 v55, v21;
	v58 =	vadd.f32 v57, v22;
	v7 =	vmul.f32 v7, v20  }
0x11e: {  	v59 =	vadd.f32 v25, v24;
	v10 =	vmul.f32 v15, v10;
	v6 =	vadd.f32 v6, v23  }
0x11f: {  	v11 =	vadd.f32 v54, v13;
	v8 =	vmul.f32 v8, v21;
	v60 =	vmul.f32 v17, v58  }
0x120: {  	v61 =	vadd.f32 v56, v14;
	v12 =	vmul.f32 v12, v59;
	v6 =	vmul.f32 v16, v6  }
0x121: {  	v62 =	vmul.f32 v9, v11;
	v2 =	vadd.f32 v8, v2;
	v3 =	vadd.f32 v60, v3  }
0x122: {  	v63 =	vmul.f32 v18, v61;
	v5 =	vadd.f32 v12, v5;
	v4 =	vadd.f32 v6, v4  }
0x123: {  	v2 =	vadd.f32 v7, v2;
	v3 =	vadd.f32 v10, v3  }
0x124: {  	v5 =	vadd.f32 v63, v5;
	v4 =	vadd.f32 v62, v4;
	_ =	sdelay $0x1  }
0x125: {  	v2 =	vadd.f32 v3, v2;
	v3 =	vadd.f32 v5, v4;
	s0 =	spop (v2sf)  }
0x126: {  	s0 =	scvt.s32.f32 s0  }
0x127: {  	v2 =	vadd.f32 v3, v2  }
0x128: {  	v3 =	vmov s0  }
0x129: {  	(xrf2) =	vadd.scan.msk.f32 $0xffff, v2;
	v2 =	vmax.f32 v3, $1.000000000e+00  }
0x12a: {  	v2 =	vbroadcast v2, $0x0;
	_ =	sdelay $0x1  }
0x12b: {  	(erf) = vrcp.f32 v2;
	_ =	sdelay $0x6  }
0x12c: {  	p0 =	sne.s32 s1, $0xC;
	v2, _, _ =	vpop (xrf2)  }
.Ltmp2:
0x12d: {  	v2 =	vbroadcast v2, $0xF;
	(pc) =	sbr.rel @p0 .LBB2_2-.Ltmp2, $4  }
0x12e: {  	v3 =	vpop (erf)  }
0x12f: {  	v2 =	vmul.f32 v3, v2;
	v3 =	vmov s29  }
0x130: {  	vm0 =	veq.s32 v3, v0  }
0x131: {  	s29 =	smov.u32 s1;
	v1 =	vsel vm0, v2, v1  }
0x132: {  	s28 =	sadd.s32 $0x1, s28  }
0x133: {  	p0 =	sne.s32 s28, s11  }
.Ltmp3:
0x134: {  	[tilespmem:$0x1B900] =	vst v1;
	s0 =	simm.s32 $0x1B900;
	(pc) =	sbr.rel @p0 .LBB2_1-.Ltmp3, $4  }
0x135: {  	[hbm4b:s10+s2] =	stream.linear.scatter [tilespmem:s0], [sflag:$0x7], $0x80, $0x38;
	[tilespmem:$0x1B980] =	vst v63  }
0x136: {  	_ =	swait.ge [sflag:s26], $0x80  }
0x137: {  	[sflag:s26] =	ssyncset.done $0x0  }
0x138: {  	[sflag:s26] =	ssyncadd.s32 $0xFFFFFF80  }
0x139: {  	_ =	sfence.sel $0x180000  }
0x13a: {  	[bflag:$0x0] =	sbarrier.arrive $0xFFFF  }
0x13b: {  	_ =	strace $0x90000047  }
0x13c: {  	s0 =	stileid.u32;
	[bflag:$0x2] =	sbarrier.arrive $0xFFFF  }
0x13d: {  	p0 =	sne.s32 s0, $0x0;
	s0 =	rddreg [dreg:$0x1]  }
0x13e: {  	s0 =	sadd.s32 @!p0 $0x100000, s0  }
0x13f: {  	[sflag:s0] =	ssyncadd.tile.s32 @!p0 $0x1;
	_ =	shalt  }
.Lfunc_end2:
_tile_overlayer_lowered:
.L_overlay_start_2:
0x140: {  	(tag) =	ssettag $0x2  }
0x141: {  	s0 =	rddreg [dreg:$0x0];
	s2 =	stileid.u32  }
0x142: {  	s1 =	rddreg [dreg:$0x1];
	p0 =	sne.s32 s2, $0x0  }
0x143: {  	s3 =	rddreg [dreg:$0x2];
	[bflag:$0x3] =	sbarrier.arrive $0xFFFF;
	s2 =	simm.s32 @!p0 $0x1C07  }
0x144: {  	[timem:s3], [sflag:s2] =	dma.local @!p0 [hbm:s0], s1  }
0x145: {  	s0 =	simm.s32 @!p0 $0x7  }
0x146: {  	_ =	swait.ge @!p0 [sflag:s0], s1  }
0x147: {  	s1 =	ssub.s32 @!p0 $0x0, s1;
	[sflag:s0] =	ssyncset.done @!p0 $0x0  }
0x148: {  	[sflag:s0] =	ssyncadd.s32 @!p0 s1  }
0x149: {  	[bflag:$0x3] =	sbarrier.arrive $0xFFFF  }
0x14a: {  	_ =	shalt  }

</sc_bundles>
